<compile_context>
chip_gen: v7x
topology: tpu7x:2x2x1
jax: 0.10.2.dev20260603
libtpu: 0.0.44.dev20260713+nightly
codegen_flags: <defaults>
</compile_context>

<pallas_src>
import math

import jax
import jax.numpy as jnp
from jax import lax
from jax.experimental import pallas as pl
from jax.experimental.pallas import tpu as pltpu
from jax.experimental.pallas import tpu_sc as plsc

N_NODES = 50000
N_EDGES = 800000
N_TRIPLETS = 800000
NUM_RADIAL = 6
NUM_SPHERICAL = 7
HIDDEN = 128
CUTOFF = 5.0

SC_CORES = 2
SC_SUBCORES = 16
NWORK = SC_CORES * SC_SUBCORES
CHUNK = 2000
NCHUNK = N_TRIPLETS // CHUNK
GMAX = (NCHUNK + NWORK - 1) // NWORK
LANES = 16

BT = 16000
NBT = N_TRIPLETS // BT


def _drain(handles):
    for h in handles:
        h.wait()


def _edge_body(ei0_hbm, ei1_hbm, posx_hbm, posy_hbm, posz_hbm,
               d2e_hbm,
               sposx, sposy, sposz,
               ba0, ba1, gxa, gya, gza, gxb, gyb, gzb, od2, sem):
    cid = lax.axis_index("c")
    sid = lax.axis_index("s")
    wid = sid * SC_CORES + cid

    @pl.when(sid == 0)
    def _():
        pltpu.sync_copy(posx_hbm, sposx)
        pltpu.sync_copy(posy_hbm, sposy)
        pltpu.sync_copy(posz_hbm, sposz)

    plsc.subcore_barrier()

    @pl.loop(0, GMAX)
    def _(g):
        chunk = wid + g * NWORK

        @pl.when(chunk < NCHUNK)
        def _():
            sl = pl.ds(chunk * CHUNK, CHUNK)
            _drain([pltpu.async_copy(ei0_hbm.at[sl], ba0, sem),
                    pltpu.async_copy(ei1_hbm.at[sl], ba1, sem)])
            _drain([pltpu.async_copy(sposx.at[ba0], gxa, sem),
                    pltpu.async_copy(sposy.at[ba0], gya, sem),
                    pltpu.async_copy(sposz.at[ba0], gza, sem),
                    pltpu.async_copy(sposx.at[ba1], gxb, sem),
                    pltpu.async_copy(sposy.at[ba1], gyb, sem),
                    pltpu.async_copy(sposz.at[ba1], gzb, sem)])

            @pl.loop(0, CHUNK, step=LANES)
            def _(v):
                s = pl.ds(v, LANES)
                dx = gxa[s] - gxb[s]
                dy = gya[s] - gyb[s]
                dz = gza[s] - gzb[s]
                od2[s] = dx * dx + dy * dy + dz * dz

            pltpu.sync_copy(od2, d2e_hbm.at[sl])


def _triplet_body(i_hbm, j_hbm, k_hbm, e_hbm,
                  posx_hbm, posy_hbm, posz_hbm, d2e_hbm,
                  xdot_hbm, y2_hbm, d2_hbm,
                  sposx, sposy, sposz, sd2e,
                  bi, bj, bk, be,
                  gxi, gyi, gzi, gxj, gyj, gzj, gxk, gyk, gzk,
                  gd2, oxdot, oy2, sem):
    cid = lax.axis_index("c")
    sid = lax.axis_index("s")
    wid = sid * SC_CORES + cid

    @pl.when(sid == 0)
    def _():
        pltpu.sync_copy(posx_hbm, sposx)
        pltpu.sync_copy(posy_hbm, sposy)
        pltpu.sync_copy(posz_hbm, sposz)
        pltpu.sync_copy(d2e_hbm, sd2e)

    plsc.subcore_barrier()

    @pl.loop(0, GMAX)
    def _(g):
        chunk = wid + g * NWORK

        @pl.when(chunk < NCHUNK)
        def _():
            sl = pl.ds(chunk * CHUNK, CHUNK)
            _drain([pltpu.async_copy(i_hbm.at[sl], bi, sem),
                    pltpu.async_copy(j_hbm.at[sl], bj, sem),
                    pltpu.async_copy(k_hbm.at[sl], bk, sem),
                    pltpu.async_copy(e_hbm.at[sl], be, sem)])
            _drain([pltpu.async_copy(sd2e.at[be], gd2, sem),
                    pltpu.async_copy(sposx.at[bi], gxi, sem),
                    pltpu.async_copy(sposy.at[bi], gyi, sem),
                    pltpu.async_copy(sposz.at[bi], gzi, sem),
                    pltpu.async_copy(sposx.at[bj], gxj, sem),
                    pltpu.async_copy(sposy.at[bj], gyj, sem),
                    pltpu.async_copy(sposz.at[bj], gzj, sem),
                    pltpu.async_copy(sposx.at[bk], gxk, sem),
                    pltpu.async_copy(sposy.at[bk], gyk, sem),
                    pltpu.async_copy(sposz.at[bk], gzk, sem)])

            @pl.loop(0, CHUNK, step=LANES)
            def _(v):
                s = pl.ds(v, LANES)
                xi, yi, zi = gxi[s], gyi[s], gzi[s]
                r1x = gxj[s] - xi
                r1y = gyj[s] - yi
                r1z = gzj[s] - zi
                r2x = gxk[s] - xi
                r2y = gyk[s] - yi
                r2z = gzk[s] - zi
                oxdot[s] = r1x * r2x + r1y * r2y + r1z * r2z
                cx = r1y * r2z - r1z * r2y
                cy = r1z * r2x - r1x * r2z
                cz = r1x * r2y - r1y * r2x
                oy2[s] = cx * cx + cy * cy + cz * cz

            _drain([pltpu.async_copy(oxdot, xdot_hbm.at[sl], sem),
                    pltpu.async_copy(oy2, y2_hbm.at[sl], sem),
                    pltpu.async_copy(gd2, d2_hbm.at[sl], sem)])


def _geom(id3_i, id3_j, id3_k, id_expand_kj, posx, posy, posz, ei0, ei1):
    fvec = jax.ShapeDtypeStruct((N_TRIPLETS,), jnp.float32)
    f32 = jnp.float32
    i32 = jnp.int32
    mesh = plsc.VectorSubcoreMesh(core_axis_name="c", subcore_axis_name="s")

    edge_kern = pl.kernel(
        _edge_body,
        out_type=jax.ShapeDtypeStruct((N_EDGES,), f32),
        mesh=mesh,
        scratch_types=[
            pltpu.VMEM_SHARED((N_NODES,), f32),
            pltpu.VMEM_SHARED((N_NODES,), f32),
            pltpu.VMEM_SHARED((N_NODES,), f32),
            pltpu.VMEM((CHUNK,), i32),
            pltpu.VMEM((CHUNK,), i32),
        ] + [pltpu.VMEM((CHUNK,), f32) for _ in range(7)]
          + [pltpu.SemaphoreType.DMA],
    )
    d2e = edge_kern(ei0, ei1, posx, posy, posz)

    trip_kern = pl.kernel(
        _triplet_body,
        out_type=[fvec, fvec, fvec],
        mesh=mesh,
        scratch_types=[
            pltpu.VMEM_SHARED((N_NODES,), f32),
            pltpu.VMEM_SHARED((N_NODES,), f32),
            pltpu.VMEM_SHARED((N_NODES,), f32),
            pltpu.VMEM_SHARED((N_EDGES,), f32),
            pltpu.VMEM((CHUNK,), i32),
            pltpu.VMEM((CHUNK,), i32),
            pltpu.VMEM((CHUNK,), i32),
            pltpu.VMEM((CHUNK,), i32),
        ] + [pltpu.VMEM((CHUNK,), f32) for _ in range(12)]
          + [pltpu.SemaphoreType.DMA],
    )
    return trip_kern(id3_i, id3_j, id3_k, id_expand_kj,
                     posx, posy, posz, d2e)


def _basis_body(x_ref, y2_ref, d2_ref, w_ref, o_ref, sbf_ref):
    x = x_ref[0]
    y2 = y2_ref[0]
    d2 = d2_ref[0]

    yv = jnp.maximum(jnp.sqrt(y2), 1e-6)
    ca = x * lax.rsqrt(x * x + yv * yv)
    d = jnp.maximum(jnp.sqrt(d2), 1e-6)
    ds = d * (1.0 / CUTOFF)
    env = jnp.where(ds <= 1.0, 0.5 * jnp.cos(math.pi * ds) + 0.5, 0.0)
    inv = env / jnp.maximum(ds, 1e-6)

    rbf = [inv * jnp.sin(((r + 1) * math.pi) * ds) for r in range(NUM_RADIAL)]

    c2 = ca * ca
    c3 = c2 * ca
    c4 = c2 * c2
    half_rpi = 0.5 / math.sqrt(math.pi)
    cbf = [
        jnp.full_like(ca, half_rpi),
        math.sqrt(3.0 / (4.0 * math.pi)) * ca,
        math.sqrt(5.0 / (4.0 * math.pi)) * ((3.0 * c2 - 1.0) * 0.5),
        math.sqrt(7.0 / (4.0 * math.pi)) * ((5.0 * c3 - 3.0 * ca) * 0.5),
        math.sqrt(9.0 / (4.0 * math.pi)) * ((35.0 * c4 - 30.0 * c2 + 3.0) * 0.125),
        math.sqrt(11.0 / (4.0 * math.pi)) * ((63.0 * c3 * c2 - 70.0 * c3 + 15.0 * ca) * 0.125),
        math.sqrt(13.0 / (4.0 * math.pi)) * (32.0 * c3 * c3 - 48.0 * c4 + 18.0 * c2 - 1.0),
    ]

    for l in range(NUM_SPHERICAL):
        for r in range(NUM_RADIAL):
            sbf_ref[pl.ds(l * NUM_RADIAL + r, 1), :] = cbf[l] * rbf[r]

    o_ref[...] = lax.dot_general(
        sbf_ref[...], w_ref[...], (((0,), (0,)), ((), ())),
        preferred_element_type=jnp.float32)


def _basis_project(xdot, y2, d2, W_sbf):
    in_spec = pl.BlockSpec((1, 1, BT), lambda i: (i, 0, 0))
    return pl.pallas_call(
        _basis_body,
        grid=(NBT,),
        in_specs=[in_spec, in_spec, in_spec,
                  pl.BlockSpec((NUM_SPHERICAL * NUM_RADIAL, HIDDEN),
                               lambda i: (0, 0))],
        out_specs=pl.BlockSpec((BT, HIDDEN), lambda i: (i, 0)),
        out_shape=jax.ShapeDtypeStruct((N_TRIPLETS, HIDDEN), jnp.float32),
        scratch_shapes=[pltpu.VMEM((NUM_SPHERICAL * NUM_RADIAL, BT), jnp.float32)],
    )(xdot.reshape(NBT, 1, BT), y2.reshape(NBT, 1, BT),
      d2.reshape(NBT, 1, BT), W_sbf)


def kernel(pos, edge_index, id3_i, id3_j, id3_k, id_expand_kj, W_sbf):
    posx = jnp.asarray(pos[:, 0])
    posy = jnp.asarray(pos[:, 1])
    posz = jnp.asarray(pos[:, 2])
    ei0 = edge_index[0]
    ei1 = edge_index[1]
    xdot, y2, d2 = _geom(id3_i, id3_j, id3_k, id_expand_kj,
                         posx, posy, posz, ei0, ei1)
    return _basis_project(xdot, y2, d2, W_sbf)

# --- scband reference (transcript-rebuilt; emitter-appended) ---
"""Pipeline reference for scband-dime-net-style-angle-feature-extractor-15607911153874 (READ-ONLY COPY).

The authoritative reference and input builder live on the scoring server;
editing this copy changes nothing except your own understanding.
"""

import jax, jax.numpy as jnp
import numpy as np
import math

CUTOFF = 5.0
NUM_RADIAL = 6
NUM_SPHERICAL = 7
HIDDEN = 128
N_NODES = 50000
N_EDGES = 800000
N_TRIPLETS = 800000


def _bessel_rbf(distances):
    d_scaled = (distances / CUTOFF)[:, None]
    envelope = jnp.where(d_scaled <= 1.0, 0.5 * (jnp.cos(math.pi * d_scaled) + 1.0), jnp.zeros_like(d_scaled))
    freqs = jnp.arange(1, NUM_RADIAL + 1, dtype=jnp.float32) * math.pi
    safe_d = jnp.clip(d_scaled, 1e-06, None)
    return envelope * jnp.sin(freqs * d_scaled) / safe_d


def _spherical_harmonics(angles):
    ca = jnp.cos(angles)
    feats = []
    for l in range(NUM_SPHERICAL):
        if l == 0:
            coeff = 1.0 / (2.0 * math.sqrt(math.pi))
            v = jnp.ones_like(ca)
        else:
            coeff = math.sqrt((2.0 * l + 1.0) / (4.0 * math.pi))
            if l == 1:
                v = ca
            elif l == 2:
                v = (3.0 * ca ** 2 - 1.0) / 2.0
            elif l == 3:
                v = (5.0 * ca ** 3 - 3.0 * ca) / 2.0
            elif l == 4:
                x2 = ca ** 2
                v = (35.0 * x2 ** 2 - 30.0 * x2 + 3.0) / 8.0
            elif l == 5:
                x2 = ca ** 2
                x3 = ca ** 3
                v = (63.0 * x3 * x2 - 70.0 * x3 + 15.0 * ca) / 8.0
            else:
                v = jnp.cos(l * angles)
        feats.append(coeff * v)
    return jnp.stack(feats, axis=1)


def setup_inputs(seed: int = 0) -> dict:
    key = jax.random.key(seed)
    ks = jax.random.split(key, 8)
    pos = jax.random.normal(ks[0], (N_NODES, 3), dtype=jnp.float32)
    edge_index = jax.random.randint(ks[1], (2, N_EDGES), 0, N_NODES, dtype=jnp.int32)
    id3_i = jax.random.randint(ks[2], (N_TRIPLETS,), 0, N_NODES, dtype=jnp.int32)
    id3_j = jax.random.randint(ks[3], (N_TRIPLETS,), 0, N_NODES, dtype=jnp.int32)
    id3_k = jax.random.randint(ks[4], (N_TRIPLETS,), 0, N_NODES, dtype=jnp.int32)
    id_expand_kj = jax.random.randint(ks[5], (N_TRIPLETS,), 0, N_EDGES, dtype=jnp.int32)
    W_sbf = jax.random.normal(ks[6], (NUM_SPHERICAL * NUM_RADIAL, HIDDEN), dtype=jnp.float32) * 0.05
    return {"pos": pos, "edge_index": edge_index, "id3_i": id3_i, "id3_j": id3_j, "id3_k": id3_k, "id_expand_kj": id_expand_kj, "W_sbf": W_sbf}


def reference(pos, edge_index, id3_i, id3_j, id3_k, id_expand_kj, W_sbf):
    # 1. interatomic distances over edges (gather pos rows)
    Ri = pos[edge_index[0]]
    Rj = pos[edge_index[1]]
    distances = jnp.clip(jnp.linalg.norm(Ri - Rj, axis=-1), 1e-06, None)
    # 2. triplet angles, numerically stable (atan2 of cross-norm vs dot)
    R1 = pos[id3_j] - pos[id3_i]
    R2 = pos[id3_k] - pos[id3_i]
    x = jnp.sum(R1 * R2, axis=-1)
    y = jnp.linalg.norm(jnp.cross(R1, R2), axis=-1)
    angles = jnp.arctan2(jnp.maximum(y, 1e-06), x)
    # 3. SBF layer: RBF over edges, gathered to triplets via id_expand_kj
    rbf = _bessel_rbf(distances)
    rbf_expanded = rbf[id_expand_kj]
    cbf = _spherical_harmonics(angles)
    cbf_expanded = jnp.repeat(cbf, NUM_RADIAL, axis=1)
    rbf_repeated = jnp.tile(rbf_expanded, (1, NUM_SPHERICAL))
    sbf = rbf_repeated * cbf_expanded
    # 4. project to hidden_channels (bias-free, as in sbf_projection)
    angle_features = sbf @ W_sbf
    return angle_features

if __name__ == "__main__":
    import jax
    _d = setup_inputs()
    print(jax.jit(kernel)(*tuple(_d.values())))

</pallas_src>

<mosaic_0001>
#map = affine_map<(d0, d1) -> (0)>
module attributes {stable_mosaic.version = 14 : i64} {
  func.func @_edge_body(%arg0: i32, %arg1: i32, %arg2: memref<800000xi32, #tpu.memory_space<hbm>>, %arg3: memref<800000xi32, #tpu.memory_space<hbm>>, %arg4: memref<50000xf32, #tpu.memory_space<hbm>>, %arg5: memref<50000xf32, #tpu.memory_space<hbm>>, %arg6: memref<50000xf32, #tpu.memory_space<hbm>>, %arg7: memref<800000xf32, #tpu.memory_space<hbm>>, %arg8: memref<50000xf32, #tpu.memory_space<vmem_shared>>, %arg9: memref<50000xf32, #tpu.memory_space<vmem_shared>>, %arg10: memref<50000xf32, #tpu.memory_space<vmem_shared>>, %arg11: memref<2000xi32, #tpu.memory_space<vmem>>, %arg12: memref<2000xi32, #tpu.memory_space<vmem>>, %arg13: memref<2000xf32, #tpu.memory_space<vmem>>, %arg14: memref<2000xf32, #tpu.memory_space<vmem>>, %arg15: memref<2000xf32, #tpu.memory_space<vmem>>, %arg16: memref<2000xf32, #tpu.memory_space<vmem>>, %arg17: memref<2000xf32, #tpu.memory_space<vmem>>, %arg18: memref<2000xf32, #tpu.memory_space<vmem>>, %arg19: memref<2000xf32, #tpu.memory_space<vmem>>, %arg20: memref<!tpu.dma_semaphore, #tpu.memory_space<semaphore_mem>>) attributes {dimension_semantics = [#tpu.dimension_semantics<core_parallel>, #tpu.dimension_semantics<subcore_parallel>], iteration_bounds = array<i64: 2, 16>, scalar_prefetch = 0 : i64, scratch_operands = 13 : i64, tpu.core_type = #tpu.core_type<sc_vector_subcore>, window_params = [{transform_indices = #map}, {transform_indices = #map}, {transform_indices = #map}, {transform_indices = #map}, {transform_indices = #map}, {transform_indices = #map}]} {
    %mul3A = arith.constant 2 : i32
    %mul3A_0 = arith.muli %arg1, %mul3A : i32
    %add3A = arith.addi %mul3A_0, %arg0 : i32
    %eq3A = arith.constant 0 : i32
    %eq3A_1 = arith.cmpi eq, %arg1, %eq3A : i32
    %convert_element_type3A = arith.extui %eq3A_1 : i1 to i32
    %cond3A = arith.constant 0 : i32
    %cond3A_2 = arith.cmpi ne, %convert_element_type3A, %cond3A : i32
    scf.if %cond3A_2 {
      "tpu.region"() ({
        %run_scoped3A = tpu.sem_alloc : memref<!tpu.dma_semaphore, #tpu.memory_space<semaphore_mem>>
        tpu.enqueue_dma source(%arg4 : memref<50000xf32, #tpu.memory_space<hbm>>) target(%arg8 : memref<50000xf32, #tpu.memory_space<vmem_shared>>) target_semaphore(%run_scoped3A : memref<!tpu.dma_semaphore, #tpu.memory_space<semaphore_mem>>)
        tpu.wait_dma2 semaphore(%run_scoped3A : memref<!tpu.dma_semaphore, #tpu.memory_space<semaphore_mem>>) src(%arg4 : memref<50000xf32, #tpu.memory_space<hbm>>) dst(%arg8 : memref<50000xf32, #tpu.memory_space<vmem_shared>>)
        tpu.yield
      }) : () -> ()
      "tpu.region"() ({
        %run_scoped3A = tpu.sem_alloc : memref<!tpu.dma_semaphore, #tpu.memory_space<semaphore_mem>>
        tpu.enqueue_dma source(%arg5 : memref<50000xf32, #tpu.memory_space<hbm>>) target(%arg9 : memref<50000xf32, #tpu.memory_space<vmem_shared>>) target_semaphore(%run_scoped3A : memref<!tpu.dma_semaphore, #tpu.memory_space<semaphore_mem>>)
        tpu.wait_dma2 semaphore(%run_scoped3A : memref<!tpu.dma_semaphore, #tpu.memory_space<semaphore_mem>>) src(%arg5 : memref<50000xf32, #tpu.memory_space<hbm>>) dst(%arg9 : memref<50000xf32, #tpu.memory_space<vmem_shared>>)
        tpu.yield
      }) : () -> ()
      "tpu.region"() ({
        %run_scoped3A = tpu.sem_alloc : memref<!tpu.dma_semaphore, #tpu.memory_space<semaphore_mem>>
        tpu.enqueue_dma source(%arg6 : memref<50000xf32, #tpu.memory_space<hbm>>) target(%arg10 : memref<50000xf32, #tpu.memory_space<vmem_shared>>) target_semaphore(%run_scoped3A : memref<!tpu.dma_semaphore, #tpu.memory_space<semaphore_mem>>)
        tpu.wait_dma2 semaphore(%run_scoped3A : memref<!tpu.dma_semaphore, #tpu.memory_space<semaphore_mem>>) src(%arg6 : memref<50000xf32, #tpu.memory_space<hbm>>) dst(%arg10 : memref<50000xf32, #tpu.memory_space<vmem_shared>>)
        tpu.yield
      }) : () -> ()
    } else {
    }
    %barrier3A = arith.constant 0 : index
    tpu.barrier barrier_id(%barrier3A)
    %scan3A = arith.constant 0 : i32
    %scan3A_3 = arith.constant 13 : i32
    %scan3A_4 = arith.addi %scan3A, %scan3A_3 : i32
    %scan3A_5 = arith.constant 1 : i32
    scf.for %scan3A_7 = %scan3A to %scan3A_4 step %scan3A_5  : i32 {
      %mul3A_8 = arith.constant 1 : i32
      %mul3A_9 = arith.muli %scan3A_7, %mul3A_8 : i32
      %add3A_10 = arith.constant 0 : i32
      %add3A_11 = arith.addi %add3A_10, %mul3A_9 : i32
      %mul3A_12 = arith.constant 32 : i32
      %mul3A_13 = arith.muli %add3A_11, %mul3A_12 : i32
      %add3A_14 = arith.addi %add3A, %mul3A_13 : i32
      %lt3A = arith.constant 400 : i32
      %lt3A_15 = arith.cmpi slt, %add3A_14, %lt3A : i32
      %convert_element_type3A_16 = arith.extui %lt3A_15 : i1 to i32
      %cond3A_17 = arith.constant 0 : i32
      %cond3A_18 = arith.cmpi ne, %convert_element_type3A_16, %cond3A_17 : i32
      scf.if %cond3A_18 {
        %mul3A_19 = arith.constant 2000 : i32
        %mul3A_20 = arith.muli %add3A_14, %mul3A_19 : i32
        %dma_start3A = tpu.memref_slice %arg2[%mul3A_20] : memref<800000xi32, #tpu.memory_space<hbm>> -> memref<2000xi32, #tpu.memory_space<hbm>>
        %dma_start3A_21 = tpu.memref_slice %arg2[%mul3A_20] : memref<800000xi32, #tpu.memory_space<hbm>> -> memref<2000xi32, #tpu.memory_space<hbm>>
        tpu.enqueue_dma source(%dma_start3A_21 : memref<2000xi32, #tpu.memory_space<hbm>>) target(%arg11 : memref<2000xi32, #tpu.memory_space<vmem>>) target_semaphore(%arg20 : memref<!tpu.dma_semaphore, #tpu.memory_space<semaphore_mem>>)
        %dma_start3A_22 = tpu.memref_slice %arg3[%mul3A_20] : memref<800000xi32, #tpu.memory_space<hbm>> -> memref<2000xi32, #tpu.memory_space<hbm>>
        %dma_start3A_23 = tpu.memref_slice %arg3[%mul3A_20] : memref<800000xi32, #tpu.memory_space<hbm>> -> memref<2000xi32, #tpu.memory_space<hbm>>
        tpu.enqueue_dma source(%dma_start3A_23 : memref<2000xi32, #tpu.memory_space<hbm>>) target(%arg12 : memref<2000xi32, #tpu.memory_space<vmem>>) target_semaphore(%arg20 : memref<!tpu.dma_semaphore, #tpu.memory_space<semaphore_mem>>)
        %dma_wait3A = tpu.memref_slice %arg2[%mul3A_20] : memref<800000xi32, #tpu.memory_space<hbm>> -> memref<2000xi32, #tpu.memory_space<hbm>>
        %dma_wait3A_24 = tpu.memref_slice %arg2[%mul3A_20] : memref<800000xi32, #tpu.memory_space<hbm>> -> memref<2000xi32, #tpu.memory_space<hbm>>
        tpu.wait_dma2 semaphore(%arg20 : memref<!tpu.dma_semaphore, #tpu.memory_space<semaphore_mem>>) src(%dma_wait3A_24 : memref<2000xi32, #tpu.memory_space<hbm>>) dst(%arg11 : memref<2000xi32, #tpu.memory_space<vmem>>)
        %dma_wait3A_25 = tpu.memref_slice %arg3[%mul3A_20] : memref<800000xi32, #tpu.memory_space<hbm>> -> memref<2000xi32, #tpu.memory_space<hbm>>
        %dma_wait3A_26 = tpu.memref_slice %arg3[%mul3A_20] : memref<800000xi32, #tpu.memory_space<hbm>> -> memref<2000xi32, #tpu.memory_space<hbm>>
        tpu.wait_dma2 semaphore(%arg20 : memref<!tpu.dma_semaphore, #tpu.memory_space<semaphore_mem>>) src(%dma_wait3A_26 : memref<2000xi32, #tpu.memory_space<hbm>>) dst(%arg12 : memref<2000xi32, #tpu.memory_space<vmem>>)
        %dma_start3A_27 = arith.constant 0 : i32
        %dma_start3A_28 = tpu.memref_slice %arg8[%dma_start3A_27] : memref<50000xf32, #tpu.memory_space<vmem_shared>> -> memref<50000xf32, #tpu.memory_space<vmem_shared>>
        tpu.enqueue_indirect_dma source(%dma_start3A_28 : memref<50000xf32, #tpu.memory_space<vmem_shared>>) target(%arg13 : memref<2000xf32, #tpu.memory_space<vmem>>) offsets(%arg11 : memref<2000xi32, #tpu.memory_space<vmem>>) semaphore(%arg20 : memref<!tpu.dma_semaphore, #tpu.memory_space<semaphore_mem>>)
        %dma_start3A_29 = arith.constant 0 : i32
        %dma_start3A_30 = tpu.memref_slice %arg9[%dma_start3A_29] : memref<50000xf32, #tpu.memory_space<vmem_shared>> -> memref<50000xf32, #tpu.memory_space<vmem_shared>>
        tpu.enqueue_indirect_dma source(%dma_start3A_30 : memref<50000xf32, #tpu.memory_space<vmem_shared>>) target(%arg14 : memref<2000xf32, #tpu.memory_space<vmem>>) offsets(%arg11 : memref<2000xi32, #tpu.memory_space<vmem>>) semaphore(%arg20 : memref<!tpu.dma_semaphore, #tpu.memory_space<semaphore_mem>>)
        %dma_start3A_31 = arith.constant 0 : i32
        %dma_start3A_32 = tpu.memref_slice %arg10[%dma_start3A_31] : memref<50000xf32, #tpu.memory_space<vmem_shared>> -> memref<50000xf32, #tpu.memory_space<vmem_shared>>
        tpu.enqueue_indirect_dma source(%dma_start3A_32 : memref<50000xf32, #tpu.memory_space<vmem_shared>>) target(%arg15 : memref<2000xf32, #tpu.memory_space<vmem>>) offsets(%arg11 : memref<2000xi32, #tpu.memory_space<vmem>>) semaphore(%arg20 : memref<!tpu.dma_semaphore, #tpu.memory_space<semaphore_mem>>)
        %dma_start3A_33 = arith.constant 0 : i32
        %dma_start3A_34 = tpu.memref_slice %arg8[%dma_start3A_33] : memref<50000xf32, #tpu.memory_space<vmem_shared>> -> memref<50000xf32, #tpu.memory_space<vmem_shared>>
        tpu.enqueue_indirect_dma source(%dma_start3A_34 : memref<50000xf32, #tpu.memory_space<vmem_shared>>) target(%arg16 : memref<2000xf32, #tpu.memory_space<vmem>>) offsets(%arg12 : memref<2000xi32, #tpu.memory_space<vmem>>) semaphore(%arg20 : memref<!tpu.dma_semaphore, #tpu.memory_space<semaphore_mem>>)
        %dma_start3A_35 = arith.constant 0 : i32
        %dma_start3A_36 = tpu.memref_slice %arg9[%dma_start3A_35] : memref<50000xf32, #tpu.memory_space<vmem_shared>> -> memref<50000xf32, #tpu.memory_space<vmem_shared>>
        tpu.enqueue_indirect_dma source(%dma_start3A_36 : memref<50000xf32, #tpu.memory_space<vmem_shared>>) target(%arg17 : memref<2000xf32, #tpu.memory_space<vmem>>) offsets(%arg12 : memref<2000xi32, #tpu.memory_space<vmem>>) semaphore(%arg20 : memref<!tpu.dma_semaphore, #tpu.memory_space<semaphore_mem>>)
        %dma_start3A_37 = arith.constant 0 : i32
        %dma_start3A_38 = tpu.memref_slice %arg10[%dma_start3A_37] : memref<50000xf32, #tpu.memory_space<vmem_shared>> -> memref<50000xf32, #tpu.memory_space<vmem_shared>>
        tpu.enqueue_indirect_dma source(%dma_start3A_38 : memref<50000xf32, #tpu.memory_space<vmem_shared>>) target(%arg18 : memref<2000xf32, #tpu.memory_space<vmem>>) offsets(%arg12 : memref<2000xi32, #tpu.memory_space<vmem>>) semaphore(%arg20 : memref<!tpu.dma_semaphore, #tpu.memory_space<semaphore_mem>>)
        %dma_wait3A_39 = arith.constant 0 : i32
        %dma_wait3A_40 = tpu.memref_slice %arg8[%dma_wait3A_39] : memref<50000xf32, #tpu.memory_space<vmem_shared>> -> memref<50000xf32, #tpu.memory_space<vmem_shared>>
        tpu.wait_indirect_dma semaphore(%arg20 : memref<!tpu.dma_semaphore, #tpu.memory_space<semaphore_mem>>) src(%dma_wait3A_40 : memref<50000xf32, #tpu.memory_space<vmem_shared>>) dst(%arg13 : memref<2000xf32, #tpu.memory_space<vmem>>)
        %dma_wait3A_41 = arith.constant 0 : i32
        %dma_wait3A_42 = tpu.memref_slice %arg9[%dma_wait3A_41] : memref<50000xf32, #tpu.memory_space<vmem_shared>> -> memref<50000xf32, #tpu.memory_space<vmem_shared>>
        tpu.wait_indirect_dma semaphore(%arg20 : memref<!tpu.dma_semaphore, #tpu.memory_space<semaphore_mem>>) src(%dma_wait3A_42 : memref<50000xf32, #tpu.memory_space<vmem_shared>>) dst(%arg14 : memref<2000xf32, #tpu.memory_space<vmem>>)
        %dma_wait3A_43 = arith.constant 0 : i32
        %dma_wait3A_44 = tpu.memref_slice %arg10[%dma_wait3A_43] : memref<50000xf32, #tpu.memory_space<vmem_shared>> -> memref<50000xf32, #tpu.memory_space<vmem_shared>>
        tpu.wait_indirect_dma semaphore(%arg20 : memref<!tpu.dma_semaphore, #tpu.memory_space<semaphore_mem>>) src(%dma_wait3A_44 : memref<50000xf32, #tpu.memory_space<vmem_shared>>) dst(%arg15 : memref<2000xf32, #tpu.memory_space<vmem>>)
        %dma_wait3A_45 = arith.constant 0 : i32
        %dma_wait3A_46 = tpu.memref_slice %arg8[%dma_wait3A_45] : memref<50000xf32, #tpu.memory_space<vmem_shared>> -> memref<50000xf32, #tpu.memory_space<vmem_shared>>
        tpu.wait_indirect_dma semaphore(%arg20 : memref<!tpu.dma_semaphore, #tpu.memory_space<semaphore_mem>>) src(%dma_wait3A_46 : memref<50000xf32, #tpu.memory_space<vmem_shared>>) dst(%arg16 : memref<2000xf32, #tpu.memory_space<vmem>>)
        %dma_wait3A_47 = arith.constant 0 : i32
        %dma_wait3A_48 = tpu.memref_slice %arg9[%dma_wait3A_47] : memref<50000xf32, #tpu.memory_space<vmem_shared>> -> memref<50000xf32, #tpu.memory_space<vmem_shared>>
        tpu.wait_indirect_dma semaphore(%arg20 : memref<!tpu.dma_semaphore, #tpu.memory_space<semaphore_mem>>) src(%dma_wait3A_48 : memref<50000xf32, #tpu.memory_space<vmem_shared>>) dst(%arg17 : memref<2000xf32, #tpu.memory_space<vmem>>)
        %dma_wait3A_49 = arith.constant 0 : i32
        %dma_wait3A_50 = tpu.memref_slice %arg10[%dma_wait3A_49] : memref<50000xf32, #tpu.memory_space<vmem_shared>> -> memref<50000xf32, #tpu.memory_space<vmem_shared>>
        tpu.wait_indirect_dma semaphore(%arg20 : memref<!tpu.dma_semaphore, #tpu.memory_space<semaphore_mem>>) src(%dma_wait3A_50 : memref<50000xf32, #tpu.memory_space<vmem_shared>>) dst(%arg18 : memref<2000xf32, #tpu.memory_space<vmem>>)
        %scan3A_51 = arith.constant 0 : i32
        %scan3A_52 = arith.constant 125 : i32
        %scan3A_53 = arith.addi %scan3A_51, %scan3A_52 : i32
        %scan3A_54 = arith.constant 1 : i32
        scf.for %scan3A_56 = %scan3A_51 to %scan3A_53 step %scan3A_54  : i32 {
          %mul3A_57 = arith.constant 16 : i32
          %mul3A_58 = arith.muli %scan3A_56, %mul3A_57 : i32
          %add3A_59 = arith.constant 0 : i32
          %add3A_60 = arith.addi %add3A_59, %mul3A_58 : i32
          %get3A = arith.index_cast %add3A_60 : i32 to index
          %get3A_61 = tpu.vector_load %arg13[%get3A] {strides = array<i32>} : memref<2000xf32, #tpu.memory_space<vmem>>, vector<16xf32>,
          %get3A_62 = vector.shape_cast %get3A_61 : vector<16xf32> to vector<16xf32>
          %get3A_63 = arith.index_cast %add3A_60 : i32 to index
          %get3A_64 = tpu.vector_load %arg16[%get3A_63] {strides = array<i32>} : memref<2000xf32, #tpu.memory_space<vmem>>, vector<16xf32>,
          %get3A_65 = vector.shape_cast %get3A_64 : vector<16xf32> to vector<16xf32>
          %sub3A = arith.subf %get3A_62, %get3A_65 : vector<16xf32>
          %get3A_66 = arith.index_cast %add3A_60 : i32 to index
          %get3A_67 = tpu.vector_load %arg14[%get3A_66] {strides = array<i32>} : memref<2000xf32, #tpu.memory_space<vmem>>, vector<16xf32>,
          %get3A_68 = vector.shape_cast %get3A_67 : vector<16xf32> to vector<16xf32>
          %get3A_69 = arith.index_cast %add3A_60 : i32 to index
          %get3A_70 = tpu.vector_load %arg17[%get3A_69] {strides = array<i32>} : memref<2000xf32, #tpu.memory_space<vmem>>, vector<16xf32>,
          %get3A_71 = vector.shape_cast %get3A_70 : vector<16xf32> to vector<16xf32>
          %sub3A_72 = arith.subf %get3A_68, %get3A_71 : vector<16xf32>
          %get3A_73 = arith.index_cast %add3A_60 : i32 to index
          %get3A_74 = tpu.vector_load %arg15[%get3A_73] {strides = array<i32>} : memref<2000xf32, #tpu.memory_space<vmem>>, vector<16xf32>,
          %get3A_75 = vector.shape_cast %get3A_74 : vector<16xf32> to vector<16xf32>
          %get3A_76 = arith.index_cast %add3A_60 : i32 to index
          %get3A_77 = tpu.vector_load %arg18[%get3A_76] {strides = array<i32>} : memref<2000xf32, #tpu.memory_space<vmem>>, vector<16xf32>,
          %get3A_78 = vector.shape_cast %get3A_77 : vector<16xf32> to vector<16xf32>
          %sub3A_79 = arith.subf %get3A_75, %get3A_78 : vector<16xf32>
          %mul3A_80 = arith.mulf %sub3A, %sub3A : vector<16xf32>
          %mul3A_81 = arith.mulf %sub3A_72, %sub3A_72 : vector<16xf32>
          %add3A_82 = arith.addf %mul3A_80, %mul3A_81 : vector<16xf32>
          %mul3A_83 = arith.mulf %sub3A_79, %sub3A_79 : vector<16xf32>
          %add3A_84 = arith.addf %add3A_82, %mul3A_83 : vector<16xf32>
          %swap3A = arith.index_cast %add3A_60 : i32 to index
          %swap3A_85 = tpu.vector_load %arg19[%swap3A] {strides = array<i32>} : memref<2000xf32, #tpu.memory_space<vmem>>, vector<16xf32>,
          %swap3A_86 = vector.shape_cast %swap3A_85 : vector<16xf32> to vector<16xf32>
          %swap3A_87 = vector.shape_cast %add3A_84 : vector<16xf32> to vector<16xf32>
          tpu.vector_store %arg19[%swap3A], %swap3A_87 {strides = array<i32>} : memref<2000xf32, #tpu.memory_space<vmem>>, vector<16xf32>,
        }
        %scan3A_55 = arith.constant 125 : i32
        "tpu.region"() ({
          %run_scoped3A = tpu.sem_alloc : memref<!tpu.dma_semaphore, #tpu.memory_space<semaphore_mem>>
          %dma_start3A_56 = tpu.memref_slice %arg7[%mul3A_20] : memref<800000xf32, #tpu.memory_space<hbm>> -> memref<2000xf32, #tpu.memory_space<hbm>>
          %dma_start3A_57 = tpu.memref_slice %arg7[%mul3A_20] : memref<800000xf32, #tpu.memory_space<hbm>> -> memref<2000xf32, #tpu.memory_space<hbm>>
          tpu.enqueue_dma source(%arg19 : memref<2000xf32, #tpu.memory_space<vmem>>) target(%dma_start3A_57 : memref<2000xf32, #tpu.memory_space<hbm>>) target_semaphore(%run_scoped3A : memref<!tpu.dma_semaphore, #tpu.memory_space<semaphore_mem>>)
          %dma_wait3A_58 = tpu.memref_slice %arg7[%mul3A_20] : memref<800000xf32, #tpu.memory_space<hbm>> -> memref<2000xf32, #tpu.memory_space<hbm>>
          %dma_wait3A_59 = tpu.memref_slice %arg7[%mul3A_20] : memref<800000xf32, #tpu.memory_space<hbm>> -> memref<2000xf32, #tpu.memory_space<hbm>>
          tpu.wait_dma2 semaphore(%run_scoped3A : memref<!tpu.dma_semaphore, #tpu.memory_space<semaphore_mem>>) src(%arg19 : memref<2000xf32, #tpu.memory_space<vmem>>) dst(%dma_wait3A_59 : memref<2000xf32, #tpu.memory_space<hbm>>)
          tpu.yield
        }) : () -> ()
      } else {
      }
    }
    %scan3A_6 = arith.constant 13 : i32
    return
  }
}

#map = affine_map<(d0, d1) -> (0)>
module attributes {stable_mosaic.version = 14 : i64} {
  func.func @_triplet_body(%arg0: i32, %arg1: i32, %arg2: memref<800000xi32, #tpu.memory_space<hbm>>, %arg3: memref<800000xi32, #tpu.memory_space<hbm>>, %arg4: memref<800000xi32, #tpu.memory_space<hbm>>, %arg5: memref<800000xi32, #tpu.memory_space<hbm>>, %arg6: memref<50000xf32, #tpu.memory_space<hbm>>, %arg7: memref<50000xf32, #tpu.memory_space<hbm>>, %arg8: memref<50000xf32, #tpu.memory_space<hbm>>, %arg9: memref<800000xf32, #tpu.memory_space<hbm>>, %arg10: memref<800000xf32, #tpu.memory_space<hbm>>, %arg11: memref<800000xf32, #tpu.memory_space<hbm>>, %arg12: memref<800000xf32, #tpu.memory_space<hbm>>, %arg13: memref<50000xf32, #tpu.memory_space<vmem_shared>>, %arg14: memref<50000xf32, #tpu.memory_space<vmem_shared>>, %arg15: memref<50000xf32, #tpu.memory_space<vmem_shared>>, %arg16: memref<800000xf32, #tpu.memory_space<vmem_shared>>, %arg17: memref<2000xi32, #tpu.memory_space<vmem>>, %arg18: memref<2000xi32, #tpu.memory_space<vmem>>, %arg19: memref<2000xi32, #tpu.memory_space<vmem>>, %arg20: memref<2000xi32, #tpu.memory_space<vmem>>, %arg21: memref<2000xf32, #tpu.memory_space<vmem>>, %arg22: memref<2000xf32, #tpu.memory_space<vmem>>, %arg23: memref<2000xf32, #tpu.memory_space<vmem>>, %arg24: memref<2000xf32, #tpu.memory_space<vmem>>, %arg25: memref<2000xf32, #tpu.memory_space<vmem>>, %arg26: memref<2000xf32, #tpu.memory_space<vmem>>, %arg27: memref<2000xf32, #tpu.memory_space<vmem>>, %arg28: memref<2000xf32, #tpu.memory_space<vmem>>, %arg29: memref<2000xf32, #tpu.memory_space<vmem>>, %arg30: memref<2000xf32, #tpu.memory_space<vmem>>, %arg31: memref<2000xf32, #tpu.memory_space<vmem>>, %arg32: memref<2000xf32, #tpu.memory_space<vmem>>, %arg33: memref<!tpu.dma_semaphore, #tpu.memory_space<semaphore_mem>>) attributes {dimension_semantics = [#tpu.dimension_semantics<core_parallel>, #tpu.dimension_semantics<subcore_parallel>], iteration_bounds = array<i64: 2, 16>, scalar_prefetch = 0 : i64, scratch_operands = 21 : i64, tpu.core_type = #tpu.core_type<sc_vector_subcore>, window_params = [{transform_indices = #map}, {transform_indices = #map}, {transform_indices = #map}, {transform_indices = #map}, {transform_indices = #map}, {transform_indices = #map}, {transform_indices = #map}, {transform_indices = #map}, {transform_indices = #map}, {transform_indices = #map}, {transform_indices = #map}]} {
    %mul3A = arith.constant 2 : i32
    %mul3A_0 = arith.muli %arg1, %mul3A : i32
    %add3A = arith.addi %mul3A_0, %arg0 : i32
    %eq3A = arith.constant 0 : i32
    %eq3A_1 = arith.cmpi eq, %arg1, %eq3A : i32
    %convert_element_type3A = arith.extui %eq3A_1 : i1 to i32
    %cond3A = arith.constant 0 : i32
    %cond3A_2 = arith.cmpi ne, %convert_element_type3A, %cond3A : i32
    scf.if %cond3A_2 {
      "tpu.region"() ({
        %run_scoped3A = tpu.sem_alloc : memref<!tpu.dma_semaphore, #tpu.memory_space<semaphore_mem>>
        tpu.enqueue_dma source(%arg6 : memref<50000xf32, #tpu.memory_space<hbm>>) target(%arg13 : memref<50000xf32, #tpu.memory_space<vmem_shared>>) target_semaphore(%run_scoped3A : memref<!tpu.dma_semaphore, #tpu.memory_space<semaphore_mem>>)
        tpu.wait_dma2 semaphore(%run_scoped3A : memref<!tpu.dma_semaphore, #tpu.memory_space<semaphore_mem>>) src(%arg6 : memref<50000xf32, #tpu.memory_space<hbm>>) dst(%arg13 : memref<50000xf32, #tpu.memory_space<vmem_shared>>)
        tpu.yield
      }) : () -> ()
      "tpu.region"() ({
        %run_scoped3A = tpu.sem_alloc : memref<!tpu.dma_semaphore, #tpu.memory_space<semaphore_mem>>
        tpu.enqueue_dma source(%arg7 : memref<50000xf32, #tpu.memory_space<hbm>>) target(%arg14 : memref<50000xf32, #tpu.memory_space<vmem_shared>>) target_semaphore(%run_scoped3A : memref<!tpu.dma_semaphore, #tpu.memory_space<semaphore_mem>>)
        tpu.wait_dma2 semaphore(%run_scoped3A : memref<!tpu.dma_semaphore, #tpu.memory_space<semaphore_mem>>) src(%arg7 : memref<50000xf32, #tpu.memory_space<hbm>>) dst(%arg14 : memref<50000xf32, #tpu.memory_space<vmem_shared>>)
        tpu.yield
      }) : () -> ()
      "tpu.region"() ({
        %run_scoped3A = tpu.sem_alloc : memref<!tpu.dma_semaphore, #tpu.memory_space<semaphore_mem>>
        tpu.enqueue_dma source(%arg8 : memref<50000xf32, #tpu.memory_space<hbm>>) target(%arg15 : memref<50000xf32, #tpu.memory_space<vmem_shared>>) target_semaphore(%run_scoped3A : memref<!tpu.dma_semaphore, #tpu.memory_space<semaphore_mem>>)
        tpu.wait_dma2 semaphore(%run_scoped3A : memref<!tpu.dma_semaphore, #tpu.memory_space<semaphore_mem>>) src(%arg8 : memref<50000xf32, #tpu.memory_space<hbm>>) dst(%arg15 : memref<50000xf32, #tpu.memory_space<vmem_shared>>)
        tpu.yield
      }) : () -> ()
      "tpu.region"() ({
        %run_scoped3A = tpu.sem_alloc : memref<!tpu.dma_semaphore, #tpu.memory_space<semaphore_mem>>
        tpu.enqueue_dma source(%arg9 : memref<800000xf32, #tpu.memory_space<hbm>>) target(%arg16 : memref<800000xf32, #tpu.memory_space<vmem_shared>>) target_semaphore(%run_scoped3A : memref<!tpu.dma_semaphore, #tpu.memory_space<semaphore_mem>>)
        tpu.wait_dma2 semaphore(%run_scoped3A : memref<!tpu.dma_semaphore, #tpu.memory_space<semaphore_mem>>) src(%arg9 : memref<800000xf32, #tpu.memory_space<hbm>>) dst(%arg16 : memref<800000xf32, #tpu.memory_space<vmem_shared>>)
        tpu.yield
      }) : () -> ()
    } else {
    }
    %barrier3A = arith.constant 0 : index
    tpu.barrier barrier_id(%barrier3A)
    %scan3A = arith.constant 0 : i32
    %scan3A_3 = arith.constant 13 : i32
    %scan3A_4 = arith.addi %scan3A, %scan3A_3 : i32
    %scan3A_5 = arith.constant 1 : i32
    scf.for %scan3A_7 = %scan3A to %scan3A_4 step %scan3A_5  : i32 {
      %mul3A_8 = arith.constant 1 : i32
      %mul3A_9 = arith.muli %scan3A_7, %mul3A_8 : i32
      %add3A_10 = arith.constant 0 : i32
      %add3A_11 = arith.addi %add3A_10, %mul3A_9 : i32
      %mul3A_12 = arith.constant 32 : i32
      %mul3A_13 = arith.muli %add3A_11, %mul3A_12 : i32
      %add3A_14 = arith.addi %add3A, %mul3A_13 : i32
      %lt3A = arith.constant 400 : i32
      %lt3A_15 = arith.cmpi slt, %add3A_14, %lt3A : i32
      %convert_element_type3A_16 = arith.extui %lt3A_15 : i1 to i32
      %cond3A_17 = arith.constant 0 : i32
      %cond3A_18 = arith.cmpi ne, %convert_element_type3A_16, %cond3A_17 : i32
      scf.if %cond3A_18 {
        %mul3A_19 = arith.constant 2000 : i32
        %mul3A_20 = arith.muli %add3A_14, %mul3A_19 : i32
        %dma_start3A = tpu.memref_slice %arg2[%mul3A_20] : memref<800000xi32, #tpu.memory_space<hbm>> -> memref<2000xi32, #tpu.memory_space<hbm>>
        %dma_start3A_21 = tpu.memref_slice %arg2[%mul3A_20] : memref<800000xi32, #tpu.memory_space<hbm>> -> memref<2000xi32, #tpu.memory_space<hbm>>
        tpu.enqueue_dma source(%dma_start3A_21 : memref<2000xi32, #tpu.memory_space<hbm>>) target(%arg17 : memref<2000xi32, #tpu.memory_space<vmem>>) target_semaphore(%arg33 : memref<!tpu.dma_semaphore, #tpu.memory_space<semaphore_mem>>)
        %dma_start3A_22 = tpu.memref_slice %arg3[%mul3A_20] : memref<800000xi32, #tpu.memory_space<hbm>> -> memref<2000xi32, #tpu.memory_space<hbm>>
        %dma_start3A_23 = tpu.memref_slice %arg3[%mul3A_20] : memref<800000xi32, #tpu.memory_space<hbm>> -> memref<2000xi32, #tpu.memory_space<hbm>>
        tpu.enqueue_dma source(%dma_start3A_23 : memref<2000xi32, #tpu.memory_space<hbm>>) target(%arg18 : memref<2000xi32, #tpu.memory_space<vmem>>) target_semaphore(%arg33 : memref<!tpu.dma_semaphore, #tpu.memory_space<semaphore_mem>>)
        %dma_start3A_24 = tpu.memref_slice %arg4[%mul3A_20] : memref<800000xi32, #tpu.memory_space<hbm>> -> memref<2000xi32, #tpu.memory_space<hbm>>
        %dma_start3A_25 = tpu.memref_slice %arg4[%mul3A_20] : memref<800000xi32, #tpu.memory_space<hbm>> -> memref<2000xi32, #tpu.memory_space<hbm>>
        tpu.enqueue_dma source(%dma_start3A_25 : memref<2000xi32, #tpu.memory_space<hbm>>) target(%arg19 : memref<2000xi32, #tpu.memory_space<vmem>>) target_semaphore(%arg33 : memref<!tpu.dma_semaphore, #tpu.memory_space<semaphore_mem>>)
        %dma_start3A_26 = tpu.memref_slice %arg5[%mul3A_20] : memref<800000xi32, #tpu.memory_space<hbm>> -> memref<2000xi32, #tpu.memory_space<hbm>>
        %dma_start3A_27 = tpu.memref_slice %arg5[%mul3A_20] : memref<800000xi32, #tpu.memory_space<hbm>> -> memref<2000xi32, #tpu.memory_space<hbm>>
        tpu.enqueue_dma source(%dma_start3A_27 : memref<2000xi32, #tpu.memory_space<hbm>>) target(%arg20 : memref<2000xi32, #tpu.memory_space<vmem>>) target_semaphore(%arg33 : memref<!tpu.dma_semaphore, #tpu.memory_space<semaphore_mem>>)
        %dma_wait3A = tpu.memref_slice %arg2[%mul3A_20] : memref<800000xi32, #tpu.memory_space<hbm>> -> memref<2000xi32, #tpu.memory_space<hbm>>
        %dma_wait3A_28 = tpu.memref_slice %arg2[%mul3A_20] : memref<800000xi32, #tpu.memory_space<hbm>> -> memref<2000xi32, #tpu.memory_space<hbm>>
        tpu.wait_dma2 semaphore(%arg33 : memref<!tpu.dma_semaphore, #tpu.memory_space<semaphore_mem>>) src(%dma_wait3A_28 : memref<2000xi32, #tpu.memory_space<hbm>>) dst(%arg17 : memref<2000xi32, #tpu.memory_space<vmem>>)
        %dma_wait3A_29 = tpu.memref_slice %arg3[%mul3A_20] : memref<800000xi32, #tpu.memory_space<hbm>> -> memref<2000xi32, #tpu.memory_space<hbm>>
        %dma_wait3A_30 = tpu.memref_slice %arg3[%mul3A_20] : memref<800000xi32, #tpu.memory_space<hbm>> -> memref<2000xi32, #tpu.memory_space<hbm>>
        tpu.wait_dma2 semaphore(%arg33 : memref<!tpu.dma_semaphore, #tpu.memory_space<semaphore_mem>>) src(%dma_wait3A_30 : memref<2000xi32, #tpu.memory_space<hbm>>) dst(%arg18 : memref<2000xi32, #tpu.memory_space<vmem>>)
        %dma_wait3A_31 = tpu.memref_slice %arg4[%mul3A_20] : memref<800000xi32, #tpu.memory_space<hbm>> -> memref<2000xi32, #tpu.memory_space<hbm>>
        %dma_wait3A_32 = tpu.memref_slice %arg4[%mul3A_20] : memref<800000xi32, #tpu.memory_space<hbm>> -> memref<2000xi32, #tpu.memory_space<hbm>>
        tpu.wait_dma2 semaphore(%arg33 : memref<!tpu.dma_semaphore, #tpu.memory_space<semaphore_mem>>) src(%dma_wait3A_32 : memref<2000xi32, #tpu.memory_space<hbm>>) dst(%arg19 : memref<2000xi32, #tpu.memory_space<vmem>>)
        %dma_wait3A_33 = tpu.memref_slice %arg5[%mul3A_20] : memref<800000xi32, #tpu.memory_space<hbm>> -> memref<2000xi32, #tpu.memory_space<hbm>>
        %dma_wait3A_34 = tpu.memref_slice %arg5[%mul3A_20] : memref<800000xi32, #tpu.memory_space<hbm>> -> memref<2000xi32, #tpu.memory_space<hbm>>
        tpu.wait_dma2 semaphore(%arg33 : memref<!tpu.dma_semaphore, #tpu.memory_space<semaphore_mem>>) src(%dma_wait3A_34 : memref<2000xi32, #tpu.memory_space<hbm>>) dst(%arg20 : memref<2000xi32, #tpu.memory_space<vmem>>)
        %dma_start3A_35 = arith.constant 0 : i32
        %dma_start3A_36 = tpu.memref_slice %arg16[%dma_start3A_35] : memref<800000xf32, #tpu.memory_space<vmem_shared>> -> memref<800000xf32, #tpu.memory_space<vmem_shared>>
        tpu.enqueue_indirect_dma source(%dma_start3A_36 : memref<800000xf32, #tpu.memory_space<vmem_shared>>) target(%arg30 : memref<2000xf32, #tpu.memory_space<vmem>>) offsets(%arg20 : memref<2000xi32, #tpu.memory_space<vmem>>) semaphore(%arg33 : memref<!tpu.dma_semaphore, #tpu.memory_space<semaphore_mem>>)
        %dma_start3A_37 = arith.constant 0 : i32
        %dma_start3A_38 = tpu.memref_slice %arg13[%dma_start3A_37] : memref<50000xf32, #tpu.memory_space<vmem_shared>> -> memref<50000xf32, #tpu.memory_space<vmem_shared>>
        tpu.enqueue_indirect_dma source(%dma_start3A_38 : memref<50000xf32, #tpu.memory_space<vmem_shared>>) target(%arg21 : memref<2000xf32, #tpu.memory_space<vmem>>) offsets(%arg17 : memref<2000xi32, #tpu.memory_space<vmem>>) semaphore(%arg33 : memref<!tpu.dma_semaphore, #tpu.memory_space<semaphore_mem>>)
        %dma_start3A_39 = arith.constant 0 : i32
        %dma_start3A_40 = tpu.memref_slice %arg14[%dma_start3A_39] : memref<50000xf32, #tpu.memory_space<vmem_shared>> -> memref<50000xf32, #tpu.memory_space<vmem_shared>>
        tpu.enqueue_indirect_dma source(%dma_start3A_40 : memref<50000xf32, #tpu.memory_space<vmem_shared>>) target(%arg22 : memref<2000xf32, #tpu.memory_space<vmem>>) offsets(%arg17 : memref<2000xi32, #tpu.memory_space<vmem>>) semaphore(%arg33 : memref<!tpu.dma_semaphore, #tpu.memory_space<semaphore_mem>>)
        %dma_start3A_41 = arith.constant 0 : i32
        %dma_start3A_42 = tpu.memref_slice %arg15[%dma_start3A_41] : memref<50000xf32, #tpu.memory_space<vmem_shared>> -> memref<50000xf32, #tpu.memory_space<vmem_shared>>
        tpu.enqueue_indirect_dma source(%dma_start3A_42 : memref<50000xf32, #tpu.memory_space<vmem_shared>>) target(%arg23 : memref<2000xf32, #tpu.memory_space<vmem>>) offsets(%arg17 : memref<2000xi32, #tpu.memory_space<vmem>>) semaphore(%arg33 : memref<!tpu.dma_semaphore, #tpu.memory_space<semaphore_mem>>)
        %dma_start3A_43 = arith.constant 0 : i32
        %dma_start3A_44 = tpu.memref_slice %arg13[%dma_start3A_43] : memref<50000xf32, #tpu.memory_space<vmem_shared>> -> memref<50000xf32, #tpu.memory_space<vmem_shared>>
        tpu.enqueue_indirect_dma source(%dma_start3A_44 : memref<50000xf32, #tpu.memory_space<vmem_shared>>) target(%arg24 : memref<2000xf32, #tpu.memory_space<vmem>>) offsets(%arg18 : memref<2000xi32, #tpu.memory_space<vmem>>) semaphore(%arg33 : memref<!tpu.dma_semaphore, #tpu.memory_space<semaphore_mem>>)
        %dma_start3A_45 = arith.constant 0 : i32
        %dma_start3A_46 = tpu.memref_slice %arg14[%dma_start3A_45] : memref<50000xf32, #tpu.memory_space<vmem_shared>> -> memref<50000xf32, #tpu.memory_space<vmem_shared>>
        tpu.enqueue_indirect_dma source(%dma_start3A_46 : memref<50000xf32, #tpu.memory_space<vmem_shared>>) target(%arg25 : memref<2000xf32, #tpu.memory_space<vmem>>) offsets(%arg18 : memref<2000xi32, #tpu.memory_space<vmem>>) semaphore(%arg33 : memref<!tpu.dma_semaphore, #tpu.memory_space<semaphore_mem>>)
        %dma_start3A_47 = arith.constant 0 : i32
        %dma_start3A_48 = tpu.memref_slice %arg15[%dma_start3A_47] : memref<50000xf32, #tpu.memory_space<vmem_shared>> -> memref<50000xf32, #tpu.memory_space<vmem_shared>>
        tpu.enqueue_indirect_dma source(%dma_start3A_48 : memref<50000xf32, #tpu.memory_space<vmem_shared>>) target(%arg26 : memref<2000xf32, #tpu.memory_space<vmem>>) offsets(%arg18 : memref<2000xi32, #tpu.memory_space<vmem>>) semaphore(%arg33 : memref<!tpu.dma_semaphore, #tpu.memory_space<semaphore_mem>>)
        %dma_start3A_49 = arith.constant 0 : i32
        %dma_start3A_50 = tpu.memref_slice %arg13[%dma_start3A_49] : memref<50000xf32, #tpu.memory_space<vmem_shared>> -> memref<50000xf32, #tpu.memory_space<vmem_shared>>
        tpu.enqueue_indirect_dma source(%dma_start3A_50 : memref<50000xf32, #tpu.memory_space<vmem_shared>>) target(%arg27 : memref<2000xf32, #tpu.memory_space<vmem>>) offsets(%arg19 : memref<2000xi32, #tpu.memory_space<vmem>>) semaphore(%arg33 : memref<!tpu.dma_semaphore, #tpu.memory_space<semaphore_mem>>)
        %dma_start3A_51 = arith.constant 0 : i32
        %dma_start3A_52 = tpu.memref_slice %arg14[%dma_start3A_51] : memref<50000xf32, #tpu.memory_space<vmem_shared>> -> memref<50000xf32, #tpu.memory_space<vmem_shared>>
        tpu.enqueue_indirect_dma source(%dma_start3A_52 : memref<50000xf32, #tpu.memory_space<vmem_shared>>) target(%arg28 : memref<2000xf32, #tpu.memory_space<vmem>>) offsets(%arg19 : memref<2000xi32, #tpu.memory_space<vmem>>) semaphore(%arg33 : memref<!tpu.dma_semaphore, #tpu.memory_space<semaphore_mem>>)
        %dma_start3A_53 = arith.constant 0 : i32
        %dma_start3A_54 = tpu.memref_slice %arg15[%dma_start3A_53] : memref<50000xf32, #tpu.memory_space<vmem_shared>> -> memref<50000xf32, #tpu.memory_space<vmem_shared>>
        tpu.enqueue_indirect_dma source(%dma_start3A_54 : memref<50000xf32, #tpu.memory_space<vmem_shared>>) target(%arg29 : memref<2000xf32, #tpu.memory_space<vmem>>) offsets(%arg19 : memref<2000xi32, #tpu.memory_space<vmem>>) semaphore(%arg33 : memref<!tpu.dma_semaphore, #tpu.memory_space<semaphore_mem>>)
        %dma_wait3A_55 = arith.constant 0 : i32
        %dma_wait3A_56 = tpu.memref_slice %arg16[%dma_wait3A_55] : memref<800000xf32, #tpu.memory_space<vmem_shared>> -> memref<800000xf32, #tpu.memory_space<vmem_shared>>
        tpu.wait_indirect_dma semaphore(%arg33 : memref<!tpu.dma_semaphore, #tpu.memory_space<semaphore_mem>>) src(%dma_wait3A_56 : memref<800000xf32, #tpu.memory_space<vmem_shared>>) dst(%arg30 : memref<2000xf32, #tpu.memory_space<vmem>>)
        %dma_wait3A_57 = arith.constant 0 : i32
        %dma_wait3A_58 = tpu.memref_slice %arg13[%dma_wait3A_57] : memref<50000xf32, #tpu.memory_space<vmem_shared>> -> memref<50000xf32, #tpu.memory_space<vmem_shared>>
        tpu.wait_indirect_dma semaphore(%arg33 : memref<!tpu.dma_semaphore, #tpu.memory_space<semaphore_mem>>) src(%dma_wait3A_58 : memref<50000xf32, #tpu.memory_space<vmem_shared>>) dst(%arg21 : memref<2000xf32, #tpu.memory_space<vmem>>)
        %dma_wait3A_59 = arith.constant 0 : i32
        %dma_wait3A_60 = tpu.memref_slice %arg14[%dma_wait3A_59] : memref<50000xf32, #tpu.memory_space<vmem_shared>> -> memref<50000xf32, #tpu.memory_space<vmem_shared>>
        tpu.wait_indirect_dma semaphore(%arg33 : memref<!tpu.dma_semaphore, #tpu.memory_space<semaphore_mem>>) src(%dma_wait3A_60 : memref<50000xf32, #tpu.memory_space<vmem_shared>>) dst(%arg22 : memref<2000xf32, #tpu.memory_space<vmem>>)
        %dma_wait3A_61 = arith.constant 0 : i32
        %dma_wait3A_62 = tpu.memref_slice %arg15[%dma_wait3A_61] : memref<50000xf32, #tpu.memory_space<vmem_shared>> -> memref<50000xf32, #tpu.memory_space<vmem_shared>>
        tpu.wait_indirect_dma semaphore(%arg33 : memref<!tpu.dma_semaphore, #tpu.memory_space<semaphore_mem>>) src(%dma_wait3A_62 : memref<50000xf32, #tpu.memory_space<vmem_shared>>) dst(%arg23 : memref<2000xf32, #tpu.memory_space<vmem>>)
        %dma_wait3A_63 = arith.constant 0 : i32
        %dma_wait3A_64 = tpu.memref_slice %arg13[%dma_wait3A_63] : memref<50000xf32, #tpu.memory_space<vmem_shared>> -> memref<50000xf32, #tpu.memory_space<vmem_shared>>
        tpu.wait_indirect_dma semaphore(%arg33 : memref<!tpu.dma_semaphore, #tpu.memory_space<semaphore_mem>>) src(%dma_wait3A_64 : memref<50000xf32, #tpu.memory_space<vmem_shared>>) dst(%arg24 : memref<2000xf32, #tpu.memory_space<vmem>>)
        %dma_wait3A_65 = arith.constant 0 : i32
        %dma_wait3A_66 = tpu.memref_slice %arg14[%dma_wait3A_65] : memref<50000xf32, #tpu.memory_space<vmem_shared>> -> memref<50000xf32, #tpu.memory_space<vmem_shared>>
        tpu.wait_indirect_dma semaphore(%arg33 : memref<!tpu.dma_semaphore, #tpu.memory_space<semaphore_mem>>) src(%dma_wait3A_66 : memref<50000xf32, #tpu.memory_space<vmem_shared>>) dst(%arg25 : memref<2000xf32, #tpu.memory_space<vmem>>)
        %dma_wait3A_67 = arith.constant 0 : i32
        %dma_wait3A_68 = tpu.memref_slice %arg15[%dma_wait3A_67] : memref<50000xf32, #tpu.memory_space<vmem_shared>> -> memref<50000xf32, #tpu.memory_space<vmem_shared>>
        tpu.wait_indirect_dma semaphore(%arg33 : memref<!tpu.dma_semaphore, #tpu.memory_space<semaphore_mem>>) src(%dma_wait3A_68 : memref<50000xf32, #tpu.memory_space<vmem_shared>>) dst(%arg26 : memref<2000xf32, #tpu.memory_space<vmem>>)
        %dma_wait3A_69 = arith.constant 0 : i32
        %dma_wait3A_70 = tpu.memref_slice %arg13[%dma_wait3A_69] : memref<50000xf32, #tpu.memory_space<vmem_shared>> -> memref<50000xf32, #tpu.memory_space<vmem_shared>>
        tpu.wait_indirect_dma semaphore(%arg33 : memref<!tpu.dma_semaphore, #tpu.memory_space<semaphore_mem>>) src(%dma_wait3A_70 : memref<50000xf32, #tpu.memory_space<vmem_shared>>) dst(%arg27 : memref<2000xf32, #tpu.memory_space<vmem>>)
        %dma_wait3A_71 = arith.constant 0 : i32
        %dma_wait3A_72 = tpu.memref_slice %arg14[%dma_wait3A_71] : memref<50000xf32, #tpu.memory_space<vmem_shared>> -> memref<50000xf32, #tpu.memory_space<vmem_shared>>
        tpu.wait_indirect_dma semaphore(%arg33 : memref<!tpu.dma_semaphore, #tpu.memory_space<semaphore_mem>>) src(%dma_wait3A_72 : memref<50000xf32, #tpu.memory_space<vmem_shared>>) dst(%arg28 : memref<2000xf32, #tpu.memory_space<vmem>>)
        %dma_wait3A_73 = arith.constant 0 : i32
        %dma_wait3A_74 = tpu.memref_slice %arg15[%dma_wait3A_73] : memref<50000xf32, #tpu.memory_space<vmem_shared>> -> memref<50000xf32, #tpu.memory_space<vmem_shared>>
        tpu.wait_indirect_dma semaphore(%arg33 : memref<!tpu.dma_semaphore, #tpu.memory_space<semaphore_mem>>) src(%dma_wait3A_74 : memref<50000xf32, #tpu.memory_space<vmem_shared>>) dst(%arg29 : memref<2000xf32, #tpu.memory_space<vmem>>)
        %scan3A_75 = arith.constant 0 : i32
        %scan3A_76 = arith.constant 125 : i32
        %scan3A_77 = arith.addi %scan3A_75, %scan3A_76 : i32
        %scan3A_78 = arith.constant 1 : i32
        scf.for %scan3A_92 = %scan3A_75 to %scan3A_77 step %scan3A_78  : i32 {
          %mul3A_93 = arith.constant 16 : i32
          %mul3A_94 = arith.muli %scan3A_92, %mul3A_93 : i32
          %add3A_95 = arith.constant 0 : i32
          %add3A_96 = arith.addi %add3A_95, %mul3A_94 : i32
          %get3A = arith.index_cast %add3A_96 : i32 to index
          %get3A_97 = tpu.vector_load %arg21[%get3A] {strides = array<i32>} : memref<2000xf32, #tpu.memory_space<vmem>>, vector<16xf32>,
          %get3A_98 = vector.shape_cast %get3A_97 : vector<16xf32> to vector<16xf32>
          %get3A_99 = arith.index_cast %add3A_96 : i32 to index
          %get3A_100 = tpu.vector_load %arg22[%get3A_99] {strides = array<i32>} : memref<2000xf32, #tpu.memory_space<vmem>>, vector<16xf32>,
          %get3A_101 = vector.shape_cast %get3A_100 : vector<16xf32> to vector<16xf32>
          %get3A_102 = arith.index_cast %add3A_96 : i32 to index
          %get3A_103 = tpu.vector_load %arg23[%get3A_102] {strides = array<i32>} : memref<2000xf32, #tpu.memory_space<vmem>>, vector<16xf32>,
          %get3A_104 = vector.shape_cast %get3A_103 : vector<16xf32> to vector<16xf32>
          %get3A_105 = arith.index_cast %add3A_96 : i32 to index
          %get3A_106 = tpu.vector_load %arg24[%get3A_105] {strides = array<i32>} : memref<2000xf32, #tpu.memory_space<vmem>>, vector<16xf32>,
          %get3A_107 = vector.shape_cast %get3A_106 : vector<16xf32> to vector<16xf32>
          %sub3A = arith.subf %get3A_107, %get3A_98 : vector<16xf32>
          %get3A_108 = arith.index_cast %add3A_96 : i32 to index
          %get3A_109 = tpu.vector_load %arg25[%get3A_108] {strides = array<i32>} : memref<2000xf32, #tpu.memory_space<vmem>>, vector<16xf32>,
          %get3A_110 = vector.shape_cast %get3A_109 : vector<16xf32> to vector<16xf32>
          %sub3A_111 = arith.subf %get3A_110, %get3A_101 : vector<16xf32>
          %get3A_112 = arith.index_cast %add3A_96 : i32 to index
          %get3A_113 = tpu.vector_load %arg26[%get3A_112] {strides = array<i32>} : memref<2000xf32, #tpu.memory_space<vmem>>, vector<16xf32>,
          %get3A_114 = vector.shape_cast %get3A_113 : vector<16xf32> to vector<16xf32>
          %sub3A_115 = arith.subf %get3A_114, %get3A_104 : vector<16xf32>
          %get3A_116 = arith.index_cast %add3A_96 : i32 to index
          %get3A_117 = tpu.vector_load %arg27[%get3A_116] {strides = array<i32>} : memref<2000xf32, #tpu.memory_space<vmem>>, vector<16xf32>,
          %get3A_118 = vector.shape_cast %get3A_117 : vector<16xf32> to vector<16xf32>
          %sub3A_119 = arith.subf %get3A_118, %get3A_98 : vector<16xf32>
          %get3A_120 = arith.index_cast %add3A_96 : i32 to index
          %get3A_121 = tpu.vector_load %arg28[%get3A_120] {strides = array<i32>} : memref<2000xf32, #tpu.memory_space<vmem>>, vector<16xf32>,
          %get3A_122 = vector.shape_cast %get3A_121 : vector<16xf32> to vector<16xf32>
          %sub3A_123 = arith.subf %get3A_122, %get3A_101 : vector<16xf32>
          %get3A_124 = arith.index_cast %add3A_96 : i32 to index
          %get3A_125 = tpu.vector_load %arg29[%get3A_124] {strides = array<i32>} : memref<2000xf32, #tpu.memory_space<vmem>>, vector<16xf32>,
          %get3A_126 = vector.shape_cast %get3A_125 : vector<16xf32> to vector<16xf32>
          %sub3A_127 = arith.subf %get3A_126, %get3A_104 : vector<16xf32>
          %mul3A_128 = arith.mulf %sub3A, %sub3A_119 : vector<16xf32>
          %mul3A_129 = arith.mulf %sub3A_111, %sub3A_123 : vector<16xf32>
          %add3A_130 = arith.addf %mul3A_128, %mul3A_129 : vector<16xf32>
          %mul3A_131 = arith.mulf %sub3A_115, %sub3A_127 : vector<16xf32>
          %add3A_132 = arith.addf %add3A_130, %mul3A_131 : vector<16xf32>
          %swap3A = arith.index_cast %add3A_96 : i32 to index
          %swap3A_133 = tpu.vector_load %arg31[%swap3A] {strides = array<i32>} : memref<2000xf32, #tpu.memory_space<vmem>>, vector<16xf32>,
          %swap3A_134 = vector.shape_cast %swap3A_133 : vector<16xf32> to vector<16xf32>
          %swap3A_135 = vector.shape_cast %add3A_132 : vector<16xf32> to vector<16xf32>
          tpu.vector_store %arg31[%swap3A], %swap3A_135 {strides = array<i32>} : memref<2000xf32, #tpu.memory_space<vmem>>, vector<16xf32>,
          %mul3A_136 = arith.mulf %sub3A_111, %sub3A_127 : vector<16xf32>
          %mul3A_137 = arith.mulf %sub3A_115, %sub3A_123 : vector<16xf32>
          %sub3A_138 = arith.subf %mul3A_136, %mul3A_137 : vector<16xf32>
          %mul3A_139 = arith.mulf %sub3A_115, %sub3A_119 : vector<16xf32>
          %mul3A_140 = arith.mulf %sub3A, %sub3A_127 : vector<16xf32>
          %sub3A_141 = arith.subf %mul3A_139, %mul3A_140 : vector<16xf32>
          %mul3A_142 = arith.mulf %sub3A, %sub3A_123 : vector<16xf32>
          %mul3A_143 = arith.mulf %sub3A_111, %sub3A_119 : vector<16xf32>
          %sub3A_144 = arith.subf %mul3A_142, %mul3A_143 : vector<16xf32>
          %mul3A_145 = arith.mulf %sub3A_138, %sub3A_138 : vector<16xf32>
          %mul3A_146 = arith.mulf %sub3A_141, %sub3A_141 : vector<16xf32>
          %add3A_147 = arith.addf %mul3A_145, %mul3A_146 : vector<16xf32>
          %mul3A_148 = arith.mulf %sub3A_144, %sub3A_144 : vector<16xf32>
          %add3A_149 = arith.addf %add3A_147, %mul3A_148 : vector<16xf32>
          %swap3A_150 = arith.index_cast %add3A_96 : i32 to index
          %swap3A_151 = tpu.vector_load %arg32[%swap3A_150] {strides = array<i32>} : memref<2000xf32, #tpu.memory_space<vmem>>, vector<16xf32>,
          %swap3A_152 = vector.shape_cast %swap3A_151 : vector<16xf32> to vector<16xf32>
          %swap3A_153 = vector.shape_cast %add3A_149 : vector<16xf32> to vector<16xf32>
          tpu.vector_store %arg32[%swap3A_150], %swap3A_153 {strides = array<i32>} : memref<2000xf32, #tpu.memory_space<vmem>>, vector<16xf32>,
        }
        %scan3A_79 = arith.constant 125 : i32
        %dma_start3A_80 = tpu.memref_slice %arg10[%mul3A_20] : memref<800000xf32, #tpu.memory_space<hbm>> -> memref<2000xf32, #tpu.memory_space<hbm>>
        %dma_start3A_81 = tpu.memref_slice %arg10[%mul3A_20] : memref<800000xf32, #tpu.memory_space<hbm>> -> memref<2000xf32, #tpu.memory_space<hbm>>
        tpu.enqueue_dma source(%arg31 : memref<2000xf32, #tpu.memory_space<vmem>>) target(%dma_start3A_81 : memref<2000xf32, #tpu.memory_space<hbm>>) target_semaphore(%arg33 : memref<!tpu.dma_semaphore, #tpu.memory_space<semaphore_mem>>)
        %dma_start3A_82 = tpu.memref_slice %arg11[%mul3A_20] : memref<800000xf32, #tpu.memory_space<hbm>> -> memref<2000xf32, #tpu.memory_space<hbm>>
        %dma_start3A_83 = tpu.memref_slice %arg11[%mul3A_20] : memref<800000xf32, #tpu.memory_space<hbm>> -> memref<2000xf32, #tpu.memory_space<hbm>>
        tpu.enqueue_dma source(%arg32 : memref<2000xf32, #tpu.memory_space<vmem>>) target(%dma_start3A_83 : memref<2000xf32, #tpu.memory_space<hbm>>) target_semaphore(%arg33 : memref<!tpu.dma_semaphore, #tpu.memory_space<semaphore_mem>>)
        %dma_start3A_84 = tpu.memref_slice %arg12[%mul3A_20] : memref<800000xf32, #tpu.memory_space<hbm>> -> memref<2000xf32, #tpu.memory_space<hbm>>
        %dma_start3A_85 = tpu.memref_slice %arg12[%mul3A_20] : memref<800000xf32, #tpu.memory_space<hbm>> -> memref<2000xf32, #tpu.memory_space<hbm>>
        tpu.enqueue_dma source(%arg30 : memref<2000xf32, #tpu.memory_space<vmem>>) target(%dma_start3A_85 : memref<2000xf32, #tpu.memory_space<hbm>>) target_semaphore(%arg33 : memref<!tpu.dma_semaphore, #tpu.memory_space<semaphore_mem>>)
        %dma_wait3A_86 = tpu.memref_slice %arg10[%mul3A_20] : memref<800000xf32, #tpu.memory_space<hbm>> -> memref<2000xf32, #tpu.memory_space<hbm>>
        %dma_wait3A_87 = tpu.memref_slice %arg10[%mul3A_20] : memref<800000xf32, #tpu.memory_space<hbm>> -> memref<2000xf32, #tpu.memory_space<hbm>>
        tpu.wait_dma2 semaphore(%arg33 : memref<!tpu.dma_semaphore, #tpu.memory_space<semaphore_mem>>) src(%arg31 : memref<2000xf32, #tpu.memory_space<vmem>>) dst(%dma_wait3A_87 : memref<2000xf32, #tpu.memory_space<hbm>>)
        %dma_wait3A_88 = tpu.memref_slice %arg11[%mul3A_20] : memref<800000xf32, #tpu.memory_space<hbm>> -> memref<2000xf32, #tpu.memory_space<hbm>>
        %dma_wait3A_89 = tpu.memref_slice %arg11[%mul3A_20] : memref<800000xf32, #tpu.memory_space<hbm>> -> memref<2000xf32, #tpu.memory_space<hbm>>
        tpu.wait_dma2 semaphore(%arg33 : memref<!tpu.dma_semaphore, #tpu.memory_space<semaphore_mem>>) src(%arg32 : memref<2000xf32, #tpu.memory_space<vmem>>) dst(%dma_wait3A_89 : memref<2000xf32, #tpu.memory_space<hbm>>)
        %dma_wait3A_90 = tpu.memref_slice %arg12[%mul3A_20] : memref<800000xf32, #tpu.memory_space<hbm>> -> memref<2000xf32, #tpu.memory_space<hbm>>
        %dma_wait3A_91 = tpu.memref_slice %arg12[%mul3A_20] : memref<800000xf32, #tpu.memory_space<hbm>> -> memref<2000xf32, #tpu.memory_space<hbm>>
        tpu.wait_dma2 semaphore(%arg33 : memref<!tpu.dma_semaphore, #tpu.memory_space<semaphore_mem>>) src(%arg30 : memref<2000xf32, #tpu.memory_space<vmem>>) dst(%dma_wait3A_91 : memref<2000xf32, #tpu.memory_space<hbm>>)
      } else {
      }
    }
    %scan3A_6 = arith.constant 13 : i32
    return
  }
}

module attributes {stable_mosaic.version = 14 : i64} {
  func.func @_basis_body(%arg0: i32, %arg1: memref<1x1x16000xf32, #tpu.memory_space<vmem>>, %arg2: memref<1x1x16000xf32, #tpu.memory_space<vmem>>, %arg3: memref<1x1x16000xf32, #tpu.memory_space<vmem>>, %arg4: memref<42x128xf32, #tpu.memory_space<vmem>>, %arg5: memref<16000x128xf32, #tpu.memory_space<vmem>>, %arg6: memref<42x16000xf32, #tpu.memory_space<vmem>>) attributes {dimension_semantics = [#tpu.dimension_semantics<arbitrary>], iteration_bounds = array<i64: 50>, scalar_prefetch = 0 : i64, scratch_operands = 1 : i64, tpu.core_type = #tpu.core_type<tc>, window_params = [{transform_indices = @transform_0, window_bounds = array<i64: 1, 1, 16000>}, {transform_indices = @transform_1, window_bounds = array<i64: 1, 1, 16000>}, {transform_indices = @transform_2, window_bounds = array<i64: 1, 1, 16000>}, {pipeline_mode = #tpu.pipeline_mode<synchronous>, transform_indices = @transform_3, window_bounds = array<i64: 42, 128>}, {transform_indices = @transform_4, window_bounds = array<i64: 16000, 128>}]} {
    %get3A = arith.constant 0 : index
    %get3A_0 = arith.constant 0 : index
    %get3A_1 = arith.constant 0 : index
    %get3A_2 = vector.load %arg1[%get3A, %get3A_0, %get3A_1] : memref<1x1x16000xf32, #tpu.memory_space<vmem>>, vector<1x1x16000xf32>
    %get3A_3 = vector.shape_cast %get3A_2 : vector<1x1x16000xf32> to vector<1x16000xf32>
    %get3A_4 = arith.constant 0 : index
    %get3A_5 = arith.constant 0 : index
    %get3A_6 = arith.constant 0 : index
    %get3A_7 = vector.load %arg2[%get3A_4, %get3A_5, %get3A_6] : memref<1x1x16000xf32, #tpu.memory_space<vmem>>, vector<1x1x16000xf32>
    %get3A_8 = vector.shape_cast %get3A_7 : vector<1x1x16000xf32> to vector<1x16000xf32>
    %get3A_9 = arith.constant 0 : index
    %get3A_10 = arith.constant 0 : index
    %get3A_11 = arith.constant 0 : index
    %get3A_12 = vector.load %arg3[%get3A_9, %get3A_10, %get3A_11] : memref<1x1x16000xf32, #tpu.memory_space<vmem>>, vector<1x1x16000xf32>
    %get3A_13 = vector.shape_cast %get3A_12 : vector<1x1x16000xf32> to vector<1x16000xf32>
    %sqrt3A = math.sqrt %get3A_8 : vector<1x16000xf32>
    %max3A = arith.constant 9.99999997E-7 : f32
    %max3A_14 = vector.broadcast %max3A : f32 to vector<1x16000xf32>
    %max3A_15 = arith.maximumf %sqrt3A, %max3A_14 : vector<1x16000xf32>
    %mul3A = arith.mulf %get3A_3, %get3A_3 : vector<1x16000xf32>
    %mul3A_16 = arith.mulf %max3A_15, %max3A_15 : vector<1x16000xf32>
    %add3A = arith.addf %mul3A, %mul3A_16 : vector<1x16000xf32>
    %rsqrt3A = math.rsqrt %add3A : vector<1x16000xf32>
    %mul3A_17 = arith.mulf %get3A_3, %rsqrt3A : vector<1x16000xf32>
    %sqrt3A_18 = math.sqrt %get3A_13 : vector<1x16000xf32>
    %max3A_19 = arith.constant 9.99999997E-7 : f32
    %max3A_20 = vector.broadcast %max3A_19 : f32 to vector<1x16000xf32>
    %max3A_21 = arith.maximumf %sqrt3A_18, %max3A_20 : vector<1x16000xf32>
    %mul3A_22 = arith.constant 2.000000e-01 : f32
    %mul3A_23 = vector.broadcast %mul3A_22 : f32 to vector<1x16000xf32>
    %mul3A_24 = arith.mulf %max3A_21, %mul3A_23 : vector<1x16000xf32>
    %le3A = arith.constant 1.000000e+00 : f32
    %le3A_25 = vector.broadcast %le3A : f32 to vector<1x16000xf32>
    %le3A_26 = arith.cmpf ole, %mul3A_24, %le3A_25 : vector<1x16000xf32>
    %mul3A_27 = arith.constant 3.14159274 : f32
    %mul3A_28 = vector.broadcast %mul3A_27 : f32 to vector<1x16000xf32>
    %mul3A_29 = arith.mulf %mul3A_28, %mul3A_24 : vector<1x16000xf32>
    %cos3A = math.cos %mul3A_29 : vector<1x16000xf32>
    %mul3A_30 = arith.constant 5.000000e-01 : f32
    %mul3A_31 = vector.broadcast %mul3A_30 : f32 to vector<1x16000xf32>
    %mul3A_32 = arith.mulf %mul3A_31, %cos3A : vector<1x16000xf32>
    %add3A_33 = arith.constant 5.000000e-01 : f32
    %add3A_34 = vector.broadcast %add3A_33 : f32 to vector<1x16000xf32>
    %add3A_35 = arith.addf %mul3A_32, %add3A_34 : vector<1x16000xf32>
    %jit3A = arith.constant 0.000000e+00 : f32
    %broadcast_in_dim3A = vector.broadcast %jit3A : f32 to vector<1x16000xf32>
    %select_n3A = arith.select %le3A_26, %add3A_35, %broadcast_in_dim3A : vector<1x16000xi1>, vector<1x16000xf32>
    %max3A_36 = arith.constant 9.99999997E-7 : f32
    %max3A_37 = vector.broadcast %max3A_36 : f32 to vector<1x16000xf32>
    %max3A_38 = arith.maximumf %mul3A_24, %max3A_37 : vector<1x16000xf32>
    %div3A = arith.divf %select_n3A, %max3A_38 : vector<1x16000xf32>
    %mul3A_39 = arith.constant 3.14159274 : f32
    %mul3A_40 = vector.broadcast %mul3A_39 : f32 to vector<1x16000xf32>
    %mul3A_41 = arith.mulf %mul3A_40, %mul3A_24 : vector<1x16000xf32>
    %sin3A = math.sin %mul3A_41 : vector<1x16000xf32>
    %mul3A_42 = arith.mulf %div3A, %sin3A : vector<1x16000xf32>
    %mul3A_43 = arith.constant 6.28318548 : f32
    %mul3A_44 = vector.broadcast %mul3A_43 : f32 to vector<1x16000xf32>
    %mul3A_45 = arith.mulf %mul3A_44, %mul3A_24 : vector<1x16000xf32>
    %sin3A_46 = math.sin %mul3A_45 : vector<1x16000xf32>
    %mul3A_47 = arith.mulf %div3A, %sin3A_46 : vector<1x16000xf32>
    %mul3A_48 = arith.constant 9.42477798 : f32
    %mul3A_49 = vector.broadcast %mul3A_48 : f32 to vector<1x16000xf32>
    %mul3A_50 = arith.mulf %mul3A_49, %mul3A_24 : vector<1x16000xf32>
    %sin3A_51 = math.sin %mul3A_50 : vector<1x16000xf32>
    %mul3A_52 = arith.mulf %div3A, %sin3A_51 : vector<1x16000xf32>
    %mul3A_53 = arith.constant 12.566371 : f32
    %mul3A_54 = vector.broadcast %mul3A_53 : f32 to vector<1x16000xf32>
    %mul3A_55 = arith.mulf %mul3A_54, %mul3A_24 : vector<1x16000xf32>
    %sin3A_56 = math.sin %mul3A_55 : vector<1x16000xf32>
    %mul3A_57 = arith.mulf %div3A, %sin3A_56 : vector<1x16000xf32>
    %mul3A_58 = arith.constant 15.707963 : f32
    %mul3A_59 = vector.broadcast %mul3A_58 : f32 to vector<1x16000xf32>
    %mul3A_60 = arith.mulf %mul3A_59, %mul3A_24 : vector<1x16000xf32>
    %sin3A_61 = math.sin %mul3A_60 : vector<1x16000xf32>
    %mul3A_62 = arith.mulf %div3A, %sin3A_61 : vector<1x16000xf32>
    %mul3A_63 = arith.constant 18.849556 : f32
    %mul3A_64 = vector.broadcast %mul3A_63 : f32 to vector<1x16000xf32>
    %mul3A_65 = arith.mulf %mul3A_64, %mul3A_24 : vector<1x16000xf32>
    %sin3A_66 = math.sin %mul3A_65 : vector<1x16000xf32>
    %mul3A_67 = arith.mulf %div3A, %sin3A_66 : vector<1x16000xf32>
    %mul3A_68 = arith.mulf %mul3A_17, %mul3A_17 : vector<1x16000xf32>
    %mul3A_69 = arith.mulf %mul3A_68, %mul3A_17 : vector<1x16000xf32>
    %mul3A_70 = arith.mulf %mul3A_68, %mul3A_68 : vector<1x16000xf32>
    %broadcast_in_dim3A_71 = arith.constant 0.282094806 : f32
    %broadcast_in_dim3A_72 = vector.broadcast %broadcast_in_dim3A_71 : f32 to vector<1x16000xf32>
    %mul3A_73 = arith.constant 0.488602519 : f32
    %mul3A_74 = vector.broadcast %mul3A_73 : f32 to vector<1x16000xf32>
    %mul3A_75 = arith.mulf %mul3A_74, %mul3A_17 : vector<1x16000xf32>
    %mul3A_76 = arith.constant 3.000000e+00 : f32
    %mul3A_77 = vector.broadcast %mul3A_76 : f32 to vector<1x16000xf32>
    %mul3A_78 = arith.mulf %mul3A_77, %mul3A_68 : vector<1x16000xf32>
    %sub3A = arith.constant 1.000000e+00 : f32
    %sub3A_79 = vector.broadcast %sub3A : f32 to vector<1x16000xf32>
    %sub3A_80 = arith.subf %mul3A_78, %sub3A_79 : vector<1x16000xf32>
    %mul3A_81 = arith.constant 5.000000e-01 : f32
    %mul3A_82 = vector.broadcast %mul3A_81 : f32 to vector<1x16000xf32>
    %mul3A_83 = arith.mulf %sub3A_80, %mul3A_82 : vector<1x16000xf32>
    %mul3A_84 = arith.constant 0.63078314 : f32
    %mul3A_85 = vector.broadcast %mul3A_84 : f32 to vector<1x16000xf32>
    %mul3A_86 = arith.mulf %mul3A_85, %mul3A_83 : vector<1x16000xf32>
    %mul3A_87 = arith.constant 5.000000e+00 : f32
    %mul3A_88 = vector.broadcast %mul3A_87 : f32 to vector<1x16000xf32>
    %mul3A_89 = arith.mulf %mul3A_88, %mul3A_69 : vector<1x16000xf32>
    %mul3A_90 = arith.constant 3.000000e+00 : f32
    %mul3A_91 = vector.broadcast %mul3A_90 : f32 to vector<1x16000xf32>
    %mul3A_92 = arith.mulf %mul3A_91, %mul3A_17 : vector<1x16000xf32>
    %sub3A_93 = arith.subf %mul3A_89, %mul3A_92 : vector<1x16000xf32>
    %mul3A_94 = arith.constant 5.000000e-01 : f32
    %mul3A_95 = vector.broadcast %mul3A_94 : f32 to vector<1x16000xf32>
    %mul3A_96 = arith.mulf %sub3A_93, %mul3A_95 : vector<1x16000xf32>
    %mul3A_97 = arith.constant 0.746352672 : f32
    %mul3A_98 = vector.broadcast %mul3A_97 : f32 to vector<1x16000xf32>
    %mul3A_99 = arith.mulf %mul3A_98, %mul3A_96 : vector<1x16000xf32>
    %mul3A_100 = arith.constant 3.500000e+01 : f32
    %mul3A_101 = vector.broadcast %mul3A_100 : f32 to vector<1x16000xf32>
    %mul3A_102 = arith.mulf %mul3A_101, %mul3A_70 : vector<1x16000xf32>
    %mul3A_103 = arith.constant 3.000000e+01 : f32
    %mul3A_104 = vector.broadcast %mul3A_103 : f32 to vector<1x16000xf32>
    %mul3A_105 = arith.mulf %mul3A_104, %mul3A_68 : vector<1x16000xf32>
    %sub3A_106 = arith.subf %mul3A_102, %mul3A_105 : vector<1x16000xf32>
    %add3A_107 = arith.constant 3.000000e+00 : f32
    %add3A_108 = vector.broadcast %add3A_107 : f32 to vector<1x16000xf32>
    %add3A_109 = arith.addf %sub3A_106, %add3A_108 : vector<1x16000xf32>
    %mul3A_110 = arith.constant 1.250000e-01 : f32
    %mul3A_111 = vector.broadcast %mul3A_110 : f32 to vector<1x16000xf32>
    %mul3A_112 = arith.mulf %add3A_109, %mul3A_111 : vector<1x16000xf32>
    %mul3A_113 = arith.constant 0.846284389 : f32
    %mul3A_114 = vector.broadcast %mul3A_113 : f32 to vector<1x16000xf32>
    %mul3A_115 = arith.mulf %mul3A_114, %mul3A_112 : vector<1x16000xf32>
    %mul3A_116 = arith.constant 6.300000e+01 : f32
    %mul3A_117 = vector.broadcast %mul3A_116 : f32 to vector<1x16000xf32>
    %mul3A_118 = arith.mulf %mul3A_117, %mul3A_69 : vector<1x16000xf32>
    %mul3A_119 = arith.mulf %mul3A_118, %mul3A_68 : vector<1x16000xf32>
    %mul3A_120 = arith.constant 7.000000e+01 : f32
    %mul3A_121 = vector.broadcast %mul3A_120 : f32 to vector<1x16000xf32>
    %mul3A_122 = arith.mulf %mul3A_121, %mul3A_69 : vector<1x16000xf32>
    %sub3A_123 = arith.subf %mul3A_119, %mul3A_122 : vector<1x16000xf32>
    %mul3A_124 = arith.constant 1.500000e+01 : f32
    %mul3A_125 = vector.broadcast %mul3A_124 : f32 to vector<1x16000xf32>
    %mul3A_126 = arith.mulf %mul3A_125, %mul3A_17 : vector<1x16000xf32>
    %add3A_127 = arith.addf %sub3A_123, %mul3A_126 : vector<1x16000xf32>
    %mul3A_128 = arith.constant 1.250000e-01 : f32
    %mul3A_129 = vector.broadcast %mul3A_128 : f32 to vector<1x16000xf32>
    %mul3A_130 = arith.mulf %add3A_127, %mul3A_129 : vector<1x16000xf32>
    %mul3A_131 = arith.constant 0.935602605 : f32
    %mul3A_132 = vector.broadcast %mul3A_131 : f32 to vector<1x16000xf32>
    %mul3A_133 = arith.mulf %mul3A_132, %mul3A_130 : vector<1x16000xf32>
    %mul3A_134 = arith.constant 3.200000e+01 : f32
    %mul3A_135 = vector.broadcast %mul3A_134 : f32 to vector<1x16000xf32>
    %mul3A_136 = arith.mulf %mul3A_135, %mul3A_69 : vector<1x16000xf32>
    %mul3A_137 = arith.mulf %mul3A_136, %mul3A_69 : vector<1x16000xf32>
    %mul3A_138 = arith.constant 4.800000e+01 : f32
    %mul3A_139 = vector.broadcast %mul3A_138 : f32 to vector<1x16000xf32>
    %mul3A_140 = arith.mulf %mul3A_139, %mul3A_70 : vector<1x16000xf32>
    %sub3A_141 = arith.subf %mul3A_137, %mul3A_140 : vector<1x16000xf32>
    %mul3A_142 = arith.constant 1.800000e+01 : f32
    %mul3A_143 = vector.broadcast %mul3A_142 : f32 to vector<1x16000xf32>
    %mul3A_144 = arith.mulf %mul3A_143, %mul3A_68 : vector<1x16000xf32>
    %add3A_145 = arith.addf %sub3A_141, %mul3A_144 : vector<1x16000xf32>
    %sub3A_146 = arith.constant 1.000000e+00 : f32
    %sub3A_147 = vector.broadcast %sub3A_146 : f32 to vector<1x16000xf32>
    %sub3A_148 = arith.subf %add3A_145, %sub3A_147 : vector<1x16000xf32>
    %mul3A_149 = arith.constant 1.01710725 : f32
    %mul3A_150 = vector.broadcast %mul3A_149 : f32 to vector<1x16000xf32>
    %mul3A_151 = arith.mulf %mul3A_150, %sub3A_148 : vector<1x16000xf32>
    %mul3A_152 = arith.mulf %broadcast_in_dim3A_72, %mul3A_42 : vector<1x16000xf32>
    %swap3A = arith.constant 0 : index
    %swap3A_153 = arith.constant 0 : index
    %swap3A_154 = vector.load %arg6[%swap3A, %swap3A_153] : memref<42x16000xf32, #tpu.memory_space<vmem>>, vector<1x16000xf32>
    tpu.vector_store %arg6[%swap3A, %swap3A_153], %mul3A_152 {strides = array<i32>} : memref<42x16000xf32, #tpu.memory_space<vmem>>, vector<1x16000xf32>,
    %mul3A_155 = arith.mulf %broadcast_in_dim3A_72, %mul3A_47 : vector<1x16000xf32>
    %swap3A_156 = arith.constant 1 : index
    %swap3A_157 = arith.constant 0 : index
    %swap3A_158 = vector.load %arg6[%swap3A_156, %swap3A_157] : memref<42x16000xf32, #tpu.memory_space<vmem>>, vector<1x16000xf32>
    tpu.vector_store %arg6[%swap3A_156, %swap3A_157], %mul3A_155 {strides = array<i32>} : memref<42x16000xf32, #tpu.memory_space<vmem>>, vector<1x16000xf32>,
    %mul3A_159 = arith.mulf %broadcast_in_dim3A_72, %mul3A_52 : vector<1x16000xf32>
    %swap3A_160 = arith.constant 2 : index
    %swap3A_161 = arith.constant 0 : index
    %swap3A_162 = vector.load %arg6[%swap3A_160, %swap3A_161] : memref<42x16000xf32, #tpu.memory_space<vmem>>, vector<1x16000xf32>
    tpu.vector_store %arg6[%swap3A_160, %swap3A_161], %mul3A_159 {strides = array<i32>} : memref<42x16000xf32, #tpu.memory_space<vmem>>, vector<1x16000xf32>,
    %mul3A_163 = arith.mulf %broadcast_in_dim3A_72, %mul3A_57 : vector<1x16000xf32>
    %swap3A_164 = arith.constant 3 : index
    %swap3A_165 = arith.constant 0 : index
    %swap3A_166 = vector.load %arg6[%swap3A_164, %swap3A_165] : memref<42x16000xf32, #tpu.memory_space<vmem>>, vector<1x16000xf32>
    tpu.vector_store %arg6[%swap3A_164, %swap3A_165], %mul3A_163 {strides = array<i32>} : memref<42x16000xf32, #tpu.memory_space<vmem>>, vector<1x16000xf32>,
    %mul3A_167 = arith.mulf %broadcast_in_dim3A_72, %mul3A_62 : vector<1x16000xf32>
    %swap3A_168 = arith.constant 4 : index
    %swap3A_169 = arith.constant 0 : index
    %swap3A_170 = vector.load %arg6[%swap3A_168, %swap3A_169] : memref<42x16000xf32, #tpu.memory_space<vmem>>, vector<1x16000xf32>
    tpu.vector_store %arg6[%swap3A_168, %swap3A_169], %mul3A_167 {strides = array<i32>} : memref<42x16000xf32, #tpu.memory_space<vmem>>, vector<1x16000xf32>,
    %mul3A_171 = arith.mulf %broadcast_in_dim3A_72, %mul3A_67 : vector<1x16000xf32>
    %swap3A_172 = arith.constant 5 : index
    %swap3A_173 = arith.constant 0 : index
    %swap3A_174 = vector.load %arg6[%swap3A_172, %swap3A_173] : memref<42x16000xf32, #tpu.memory_space<vmem>>, vector<1x16000xf32>
    tpu.vector_store %arg6[%swap3A_172, %swap3A_173], %mul3A_171 {strides = array<i32>} : memref<42x16000xf32, #tpu.memory_space<vmem>>, vector<1x16000xf32>,
    %mul3A_175 = arith.mulf %mul3A_75, %mul3A_42 : vector<1x16000xf32>
    %swap3A_176 = arith.constant 6 : index
    %swap3A_177 = arith.constant 0 : index
    %swap3A_178 = vector.load %arg6[%swap3A_176, %swap3A_177] : memref<42x16000xf32, #tpu.memory_space<vmem>>, vector<1x16000xf32>
    tpu.vector_store %arg6[%swap3A_176, %swap3A_177], %mul3A_175 {strides = array<i32>} : memref<42x16000xf32, #tpu.memory_space<vmem>>, vector<1x16000xf32>,
    %mul3A_179 = arith.mulf %mul3A_75, %mul3A_47 : vector<1x16000xf32>
    %swap3A_180 = arith.constant 7 : index
    %swap3A_181 = arith.constant 0 : index
    %swap3A_182 = vector.load %arg6[%swap3A_180, %swap3A_181] : memref<42x16000xf32, #tpu.memory_space<vmem>>, vector<1x16000xf32>
    tpu.vector_store %arg6[%swap3A_180, %swap3A_181], %mul3A_179 {strides = array<i32>} : memref<42x16000xf32, #tpu.memory_space<vmem>>, vector<1x16000xf32>,
    %mul3A_183 = arith.mulf %mul3A_75, %mul3A_52 : vector<1x16000xf32>
    %swap3A_184 = arith.constant 8 : index
    %swap3A_185 = arith.constant 0 : index
    %swap3A_186 = vector.load %arg6[%swap3A_184, %swap3A_185] : memref<42x16000xf32, #tpu.memory_space<vmem>>, vector<1x16000xf32>
    tpu.vector_store %arg6[%swap3A_184, %swap3A_185], %mul3A_183 {strides = array<i32>} : memref<42x16000xf32, #tpu.memory_space<vmem>>, vector<1x16000xf32>,
    %mul3A_187 = arith.mulf %mul3A_75, %mul3A_57 : vector<1x16000xf32>
    %swap3A_188 = arith.constant 9 : index
    %swap3A_189 = arith.constant 0 : index
    %swap3A_190 = vector.load %arg6[%swap3A_188, %swap3A_189] : memref<42x16000xf32, #tpu.memory_space<vmem>>, vector<1x16000xf32>
    tpu.vector_store %arg6[%swap3A_188, %swap3A_189], %mul3A_187 {strides = array<i32>} : memref<42x16000xf32, #tpu.memory_space<vmem>>, vector<1x16000xf32>,
    %mul3A_191 = arith.mulf %mul3A_75, %mul3A_62 : vector<1x16000xf32>
    %swap3A_192 = arith.constant 10 : index
    %swap3A_193 = arith.constant 0 : index
    %swap3A_194 = vector.load %arg6[%swap3A_192, %swap3A_193] : memref<42x16000xf32, #tpu.memory_space<vmem>>, vector<1x16000xf32>
    tpu.vector_store %arg6[%swap3A_192, %swap3A_193], %mul3A_191 {strides = array<i32>} : memref<42x16000xf32, #tpu.memory_space<vmem>>, vector<1x16000xf32>,
    %mul3A_195 = arith.mulf %mul3A_75, %mul3A_67 : vector<1x16000xf32>
    %swap3A_196 = arith.constant 11 : index
    %swap3A_197 = arith.constant 0 : index
    %swap3A_198 = vector.load %arg6[%swap3A_196, %swap3A_197] : memref<42x16000xf32, #tpu.memory_space<vmem>>, vector<1x16000xf32>
    tpu.vector_store %arg6[%swap3A_196, %swap3A_197], %mul3A_195 {strides = array<i32>} : memref<42x16000xf32, #tpu.memory_space<vmem>>, vector<1x16000xf32>,
    %mul3A_199 = arith.mulf %mul3A_86, %mul3A_42 : vector<1x16000xf32>
    %swap3A_200 = arith.constant 12 : index
    %swap3A_201 = arith.constant 0 : index
    %swap3A_202 = vector.load %arg6[%swap3A_200, %swap3A_201] : memref<42x16000xf32, #tpu.memory_space<vmem>>, vector<1x16000xf32>
    tpu.vector_store %arg6[%swap3A_200, %swap3A_201], %mul3A_199 {strides = array<i32>} : memref<42x16000xf32, #tpu.memory_space<vmem>>, vector<1x16000xf32>,
    %mul3A_203 = arith.mulf %mul3A_86, %mul3A_47 : vector<1x16000xf32>
    %swap3A_204 = arith.constant 13 : index
    %swap3A_205 = arith.constant 0 : index
    %swap3A_206 = vector.load %arg6[%swap3A_204, %swap3A_205] : memref<42x16000xf32, #tpu.memory_space<vmem>>, vector<1x16000xf32>
    tpu.vector_store %arg6[%swap3A_204, %swap3A_205], %mul3A_203 {strides = array<i32>} : memref<42x16000xf32, #tpu.memory_space<vmem>>, vector<1x16000xf32>,
    %mul3A_207 = arith.mulf %mul3A_86, %mul3A_52 : vector<1x16000xf32>
    %swap3A_208 = arith.constant 14 : index
    %swap3A_209 = arith.constant 0 : index
    %swap3A_210 = vector.load %arg6[%swap3A_208, %swap3A_209] : memref<42x16000xf32, #tpu.memory_space<vmem>>, vector<1x16000xf32>
    tpu.vector_store %arg6[%swap3A_208, %swap3A_209], %mul3A_207 {strides = array<i32>} : memref<42x16000xf32, #tpu.memory_space<vmem>>, vector<1x16000xf32>,
    %mul3A_211 = arith.mulf %mul3A_86, %mul3A_57 : vector<1x16000xf32>
    %swap3A_212 = arith.constant 15 : index
    %swap3A_213 = arith.constant 0 : index
    %swap3A_214 = vector.load %arg6[%swap3A_212, %swap3A_213] : memref<42x16000xf32, #tpu.memory_space<vmem>>, vector<1x16000xf32>
    tpu.vector_store %arg6[%swap3A_212, %swap3A_213], %mul3A_211 {strides = array<i32>} : memref<42x16000xf32, #tpu.memory_space<vmem>>, vector<1x16000xf32>,
    %mul3A_215 = arith.mulf %mul3A_86, %mul3A_62 : vector<1x16000xf32>
    %swap3A_216 = arith.constant 16 : index
    %swap3A_217 = arith.constant 0 : index
    %swap3A_218 = vector.load %arg6[%swap3A_216, %swap3A_217] : memref<42x16000xf32, #tpu.memory_space<vmem>>, vector<1x16000xf32>
    tpu.vector_store %arg6[%swap3A_216, %swap3A_217], %mul3A_215 {strides = array<i32>} : memref<42x16000xf32, #tpu.memory_space<vmem>>, vector<1x16000xf32>,
    %mul3A_219 = arith.mulf %mul3A_86, %mul3A_67 : vector<1x16000xf32>
    %swap3A_220 = arith.constant 17 : index
    %swap3A_221 = arith.constant 0 : index
    %swap3A_222 = vector.load %arg6[%swap3A_220, %swap3A_221] : memref<42x16000xf32, #tpu.memory_space<vmem>>, vector<1x16000xf32>
    tpu.vector_store %arg6[%swap3A_220, %swap3A_221], %mul3A_219 {strides = array<i32>} : memref<42x16000xf32, #tpu.memory_space<vmem>>, vector<1x16000xf32>,
    %mul3A_223 = arith.mulf %mul3A_99, %mul3A_42 : vector<1x16000xf32>
    %swap3A_224 = arith.constant 18 : index
    %swap3A_225 = arith.constant 0 : index
    %swap3A_226 = vector.load %arg6[%swap3A_224, %swap3A_225] : memref<42x16000xf32, #tpu.memory_space<vmem>>, vector<1x16000xf32>
    tpu.vector_store %arg6[%swap3A_224, %swap3A_225], %mul3A_223 {strides = array<i32>} : memref<42x16000xf32, #tpu.memory_space<vmem>>, vector<1x16000xf32>,
    %mul3A_227 = arith.mulf %mul3A_99, %mul3A_47 : vector<1x16000xf32>
    %swap3A_228 = arith.constant 19 : index
    %swap3A_229 = arith.constant 0 : index
    %swap3A_230 = vector.load %arg6[%swap3A_228, %swap3A_229] : memref<42x16000xf32, #tpu.memory_space<vmem>>, vector<1x16000xf32>
    tpu.vector_store %arg6[%swap3A_228, %swap3A_229], %mul3A_227 {strides = array<i32>} : memref<42x16000xf32, #tpu.memory_space<vmem>>, vector<1x16000xf32>,
    %mul3A_231 = arith.mulf %mul3A_99, %mul3A_52 : vector<1x16000xf32>
    %swap3A_232 = arith.constant 20 : index
    %swap3A_233 = arith.constant 0 : index
    %swap3A_234 = vector.load %arg6[%swap3A_232, %swap3A_233] : memref<42x16000xf32, #tpu.memory_space<vmem>>, vector<1x16000xf32>
    tpu.vector_store %arg6[%swap3A_232, %swap3A_233], %mul3A_231 {strides = array<i32>} : memref<42x16000xf32, #tpu.memory_space<vmem>>, vector<1x16000xf32>,
    %mul3A_235 = arith.mulf %mul3A_99, %mul3A_57 : vector<1x16000xf32>
    %swap3A_236 = arith.constant 21 : index
    %swap3A_237 = arith.constant 0 : index
    %swap3A_238 = vector.load %arg6[%swap3A_236, %swap3A_237] : memref<42x16000xf32, #tpu.memory_space<vmem>>, vector<1x16000xf32>
    tpu.vector_store %arg6[%swap3A_236, %swap3A_237], %mul3A_235 {strides = array<i32>} : memref<42x16000xf32, #tpu.memory_space<vmem>>, vector<1x16000xf32>,
    %mul3A_239 = arith.mulf %mul3A_99, %mul3A_62 : vector<1x16000xf32>
    %swap3A_240 = arith.constant 22 : index
    %swap3A_241 = arith.constant 0 : index
    %swap3A_242 = vector.load %arg6[%swap3A_240, %swap3A_241] : memref<42x16000xf32, #tpu.memory_space<vmem>>, vector<1x16000xf32>
    tpu.vector_store %arg6[%swap3A_240, %swap3A_241], %mul3A_239 {strides = array<i32>} : memref<42x16000xf32, #tpu.memory_space<vmem>>, vector<1x16000xf32>,
    %mul3A_243 = arith.mulf %mul3A_99, %mul3A_67 : vector<1x16000xf32>
    %swap3A_244 = arith.constant 23 : index
    %swap3A_245 = arith.constant 0 : index
    %swap3A_246 = vector.load %arg6[%swap3A_244, %swap3A_245] : memref<42x16000xf32, #tpu.memory_space<vmem>>, vector<1x16000xf32>
    tpu.vector_store %arg6[%swap3A_244, %swap3A_245], %mul3A_243 {strides = array<i32>} : memref<42x16000xf32, #tpu.memory_space<vmem>>, vector<1x16000xf32>,
    %mul3A_247 = arith.mulf %mul3A_115, %mul3A_42 : vector<1x16000xf32>
    %swap3A_248 = arith.constant 24 : index
    %swap3A_249 = arith.constant 0 : index
    %swap3A_250 = vector.load %arg6[%swap3A_248, %swap3A_249] : memref<42x16000xf32, #tpu.memory_space<vmem>>, vector<1x16000xf32>
    tpu.vector_store %arg6[%swap3A_248, %swap3A_249], %mul3A_247 {strides = array<i32>} : memref<42x16000xf32, #tpu.memory_space<vmem>>, vector<1x16000xf32>,
    %mul3A_251 = arith.mulf %mul3A_115, %mul3A_47 : vector<1x16000xf32>
    %swap3A_252 = arith.constant 25 : index
    %swap3A_253 = arith.constant 0 : index
    %swap3A_254 = vector.load %arg6[%swap3A_252, %swap3A_253] : memref<42x16000xf32, #tpu.memory_space<vmem>>, vector<1x16000xf32>
    tpu.vector_store %arg6[%swap3A_252, %swap3A_253], %mul3A_251 {strides = array<i32>} : memref<42x16000xf32, #tpu.memory_space<vmem>>, vector<1x16000xf32>,
    %mul3A_255 = arith.mulf %mul3A_115, %mul3A_52 : vector<1x16000xf32>
    %swap3A_256 = arith.constant 26 : index
    %swap3A_257 = arith.constant 0 : index
    %swap3A_258 = vector.load %arg6[%swap3A_256, %swap3A_257] : memref<42x16000xf32, #tpu.memory_space<vmem>>, vector<1x16000xf32>
    tpu.vector_store %arg6[%swap3A_256, %swap3A_257], %mul3A_255 {strides = array<i32>} : memref<42x16000xf32, #tpu.memory_space<vmem>>, vector<1x16000xf32>,
    %mul3A_259 = arith.mulf %mul3A_115, %mul3A_57 : vector<1x16000xf32>
    %swap3A_260 = arith.constant 27 : index
    %swap3A_261 = arith.constant 0 : index
    %swap3A_262 = vector.load %arg6[%swap3A_260, %swap3A_261] : memref<42x16000xf32, #tpu.memory_space<vmem>>, vector<1x16000xf32>
    tpu.vector_store %arg6[%swap3A_260, %swap3A_261], %mul3A_259 {strides = array<i32>} : memref<42x16000xf32, #tpu.memory_space<vmem>>, vector<1x16000xf32>,
    %mul3A_263 = arith.mulf %mul3A_115, %mul3A_62 : vector<1x16000xf32>
    %swap3A_264 = arith.constant 28 : index
    %swap3A_265 = arith.constant 0 : index
    %swap3A_266 = vector.load %arg6[%swap3A_264, %swap3A_265] : memref<42x16000xf32, #tpu.memory_space<vmem>>, vector<1x16000xf32>
    tpu.vector_store %arg6[%swap3A_264, %swap3A_265], %mul3A_263 {strides = array<i32>} : memref<42x16000xf32, #tpu.memory_space<vmem>>, vector<1x16000xf32>,
    %mul3A_267 = arith.mulf %mul3A_115, %mul3A_67 : vector<1x16000xf32>
    %swap3A_268 = arith.constant 29 : index
    %swap3A_269 = arith.constant 0 : index
    %swap3A_270 = vector.load %arg6[%swap3A_268, %swap3A_269] : memref<42x16000xf32, #tpu.memory_space<vmem>>, vector<1x16000xf32>
    tpu.vector_store %arg6[%swap3A_268, %swap3A_269], %mul3A_267 {strides = array<i32>} : memref<42x16000xf32, #tpu.memory_space<vmem>>, vector<1x16000xf32>,
    %mul3A_271 = arith.mulf %mul3A_133, %mul3A_42 : vector<1x16000xf32>
    %swap3A_272 = arith.constant 30 : index
    %swap3A_273 = arith.constant 0 : index
    %swap3A_274 = vector.load %arg6[%swap3A_272, %swap3A_273] : memref<42x16000xf32, #tpu.memory_space<vmem>>, vector<1x16000xf32>
    tpu.vector_store %arg6[%swap3A_272, %swap3A_273], %mul3A_271 {strides = array<i32>} : memref<42x16000xf32, #tpu.memory_space<vmem>>, vector<1x16000xf32>,
    %mul3A_275 = arith.mulf %mul3A_133, %mul3A_47 : vector<1x16000xf32>
    %swap3A_276 = arith.constant 31 : index
    %swap3A_277 = arith.constant 0 : index
    %swap3A_278 = vector.load %arg6[%swap3A_276, %swap3A_277] : memref<42x16000xf32, #tpu.memory_space<vmem>>, vector<1x16000xf32>
    tpu.vector_store %arg6[%swap3A_276, %swap3A_277], %mul3A_275 {strides = array<i32>} : memref<42x16000xf32, #tpu.memory_space<vmem>>, vector<1x16000xf32>,
    %mul3A_279 = arith.mulf %mul3A_133, %mul3A_52 : vector<1x16000xf32>
    %swap3A_280 = arith.constant 32 : index
    %swap3A_281 = arith.constant 0 : index
    %swap3A_282 = vector.load %arg6[%swap3A_280, %swap3A_281] : memref<42x16000xf32, #tpu.memory_space<vmem>>, vector<1x16000xf32>
    tpu.vector_store %arg6[%swap3A_280, %swap3A_281], %mul3A_279 {strides = array<i32>} : memref<42x16000xf32, #tpu.memory_space<vmem>>, vector<1x16000xf32>,
    %mul3A_283 = arith.mulf %mul3A_133, %mul3A_57 : vector<1x16000xf32>
    %swap3A_284 = arith.constant 33 : index
    %swap3A_285 = arith.constant 0 : index
    %swap3A_286 = vector.load %arg6[%swap3A_284, %swap3A_285] : memref<42x16000xf32, #tpu.memory_space<vmem>>, vector<1x16000xf32>
    tpu.vector_store %arg6[%swap3A_284, %swap3A_285], %mul3A_283 {strides = array<i32>} : memref<42x16000xf32, #tpu.memory_space<vmem>>, vector<1x16000xf32>,
    %mul3A_287 = arith.mulf %mul3A_133, %mul3A_62 : vector<1x16000xf32>
    %swap3A_288 = arith.constant 34 : index
    %swap3A_289 = arith.constant 0 : index
    %swap3A_290 = vector.load %arg6[%swap3A_288, %swap3A_289] : memref<42x16000xf32, #tpu.memory_space<vmem>>, vector<1x16000xf32>
    tpu.vector_store %arg6[%swap3A_288, %swap3A_289], %mul3A_287 {strides = array<i32>} : memref<42x16000xf32, #tpu.memory_space<vmem>>, vector<1x16000xf32>,
    %mul3A_291 = arith.mulf %mul3A_133, %mul3A_67 : vector<1x16000xf32>
    %swap3A_292 = arith.constant 35 : index
    %swap3A_293 = arith.constant 0 : index
    %swap3A_294 = vector.load %arg6[%swap3A_292, %swap3A_293] : memref<42x16000xf32, #tpu.memory_space<vmem>>, vector<1x16000xf32>
    tpu.vector_store %arg6[%swap3A_292, %swap3A_293], %mul3A_291 {strides = array<i32>} : memref<42x16000xf32, #tpu.memory_space<vmem>>, vector<1x16000xf32>,
    %mul3A_295 = arith.mulf %mul3A_151, %mul3A_42 : vector<1x16000xf32>
    %swap3A_296 = arith.constant 36 : index
    %swap3A_297 = arith.constant 0 : index
    %swap3A_298 = vector.load %arg6[%swap3A_296, %swap3A_297] : memref<42x16000xf32, #tpu.memory_space<vmem>>, vector<1x16000xf32>
    tpu.vector_store %arg6[%swap3A_296, %swap3A_297], %mul3A_295 {strides = array<i32>} : memref<42x16000xf32, #tpu.memory_space<vmem>>, vector<1x16000xf32>,
    %mul3A_299 = arith.mulf %mul3A_151, %mul3A_47 : vector<1x16000xf32>
    %swap3A_300 = arith.constant 37 : index
    %swap3A_301 = arith.constant 0 : index
    %swap3A_302 = vector.load %arg6[%swap3A_300, %swap3A_301] : memref<42x16000xf32, #tpu.memory_space<vmem>>, vector<1x16000xf32>
    tpu.vector_store %arg6[%swap3A_300, %swap3A_301], %mul3A_299 {strides = array<i32>} : memref<42x16000xf32, #tpu.memory_space<vmem>>, vector<1x16000xf32>,
    %mul3A_303 = arith.mulf %mul3A_151, %mul3A_52 : vector<1x16000xf32>
    %swap3A_304 = arith.constant 38 : index
    %swap3A_305 = arith.constant 0 : index
    %swap3A_306 = vector.load %arg6[%swap3A_304, %swap3A_305] : memref<42x16000xf32, #tpu.memory_space<vmem>>, vector<1x16000xf32>
    tpu.vector_store %arg6[%swap3A_304, %swap3A_305], %mul3A_303 {strides = array<i32>} : memref<42x16000xf32, #tpu.memory_space<vmem>>, vector<1x16000xf32>,
    %mul3A_307 = arith.mulf %mul3A_151, %mul3A_57 : vector<1x16000xf32>
    %swap3A_308 = arith.constant 39 : index
    %swap3A_309 = arith.constant 0 : index
    %swap3A_310 = vector.load %arg6[%swap3A_308, %swap3A_309] : memref<42x16000xf32, #tpu.memory_space<vmem>>, vector<1x16000xf32>
    tpu.vector_store %arg6[%swap3A_308, %swap3A_309], %mul3A_307 {strides = array<i32>} : memref<42x16000xf32, #tpu.memory_space<vmem>>, vector<1x16000xf32>,
    %mul3A_311 = arith.mulf %mul3A_151, %mul3A_62 : vector<1x16000xf32>
    %swap3A_312 = arith.constant 40 : index
    %swap3A_313 = arith.constant 0 : index
    %swap3A_314 = vector.load %arg6[%swap3A_312, %swap3A_313] : memref<42x16000xf32, #tpu.memory_space<vmem>>, vector<1x16000xf32>
    tpu.vector_store %arg6[%swap3A_312, %swap3A_313], %mul3A_311 {strides = array<i32>} : memref<42x16000xf32, #tpu.memory_space<vmem>>, vector<1x16000xf32>,
    %mul3A_315 = arith.mulf %mul3A_151, %mul3A_67 : vector<1x16000xf32>
    %swap3A_316 = arith.constant 41 : index
    %swap3A_317 = arith.constant 0 : index
    %swap3A_318 = vector.load %arg6[%swap3A_316, %swap3A_317] : memref<42x16000xf32, #tpu.memory_space<vmem>>, vector<1x16000xf32>
    tpu.vector_store %arg6[%swap3A_316, %swap3A_317], %mul3A_315 {strides = array<i32>} : memref<42x16000xf32, #tpu.memory_space<vmem>>, vector<1x16000xf32>,
    %get3A_319 = arith.constant 0 : index
    %get3A_320 = arith.constant 0 : index
    %get3A_321 = vector.load %arg6[%get3A_319, %get3A_320] : memref<42x16000xf32, #tpu.memory_space<vmem>>, vector<42x16000xf32>
    %get3A_322 = arith.constant 0 : index
    %get3A_323 = arith.constant 0 : index
    %get3A_324 = vector.load %arg4[%get3A_322, %get3A_323] : memref<42x128xf32, #tpu.memory_space<vmem>>, vector<42x128xf32>
    %dot_general3A = arith.constant dense<0.000000e+00> : vector<16000x128xf32>
    %dot_general3A_325 = tpu.matmul %get3A_321, %get3A_324, %dot_general3A {dimension_numbers = #tpu.dot_dimension_numbers<[0], [0], [1], [1], [0, 1, 1, 1], [], []>, transpose_lhs_hint = false} : vector<42x16000xf32>, vector<42x128xf32>, vector<16000x128xf32> -> vector<16000x128xf32>
    %swap3A_326 = arith.constant 0 : index
    %swap3A_327 = arith.constant 0 : index
    %swap3A_328 = vector.load %arg5[%swap3A_326, %swap3A_327] : memref<16000x128xf32, #tpu.memory_space<vmem>>, vector<16000x128xf32>
    tpu.vector_store %arg5[%swap3A_326, %swap3A_327], %dot_general3A_325 {strides = array<i32>} : memref<16000x128xf32, #tpu.memory_space<vmem>>, vector<16000x128xf32>,
    return
  }
  func.func @transform_0(%arg0: i32) -> (i32, i32, i32) {
    %c0_i32 = arith.constant 0 : i32
    %c0_i32_0 = arith.constant 0 : i32
    %c0_i32_1 = arith.constant 0 : i32
    return %arg0, %c0_i32, %c0_i32_0 : i32, i32, i32
  }
  func.func @transform_1(%arg0: i32) -> (i32, i32, i32) {
    %c0_i32 = arith.constant 0 : i32
    %c0_i32_0 = arith.constant 0 : i32
    %c0_i32_1 = arith.constant 0 : i32
    return %arg0, %c0_i32, %c0_i32_0 : i32, i32, i32
  }
  func.func @transform_2(%arg0: i32) -> (i32, i32, i32) {
    %c0_i32 = arith.constant 0 : i32
    %c0_i32_0 = arith.constant 0 : i32
    %c0_i32_1 = arith.constant 0 : i32
    return %arg0, %c0_i32, %c0_i32_0 : i32, i32, i32
  }
  func.func @transform_3(%arg0: i32) -> (i32, i32) {
    %c0_i32 = arith.constant 0 : i32
    %c0_i32_0 = arith.constant 0 : i32
    %c0_i32_1 = arith.constant 0 : i32
    return %c0_i32, %c0_i32_0 : i32, i32
  }
  func.func @transform_4(%arg0: i32) -> (i32, i32) {
    %c0_i32 = arith.constant 0 : i32
    %c0_i32_0 = arith.constant 0 : i32
    return %arg0, %c0_i32 : i32, i32
  }
}

</mosaic_0001>

<sc_bundles>
// kernel: kernel.5.cloned.1.call-start
scs
__scs_entry_jumppad:
0x0: {  	(pc) =	sbr.rel $0x88, $3  }
0x1: {  	(tag) =	ssettag $0x0;
	lr =	simm.s32 $0x1  }
0x2: {  	[smem:$0x3F9A] =	sst lr;
	_ =	strace $0xD0000000  }
0x3: {  	_ = 	snop  }
0x4: {  	_ = 	snop  }
0x5: {  	_ = 	snop  }
0x6: {  	_ = 	snop  }
0x7: {  	_ = 	snop  }
__scs_overlays_trampoline_lowered:
0x8: {  	[smem:$0x3FA9] =	sst s0  }
0x9: {  	[smem:$0x3FAA] =	sst s1  }
0xa: {  	[smem:$0x3FAB] =	sst s2  }
0xb: {  	[smem:$0x3FAC] =	sst s3  }
0xc: {  	[smem:$0x3FAD] =	sst s4  }
0xd: {  	[smem:$0x3FAE] =	sst s5  }
0xe: {  	[smem:$0x3FAF] =	sst s6  }
0xf: {  	[smem:$0x3FB0] =	sst s7  }
0x10: {  	[smem:$0x3FB1] =	sst s8  }
0x11: {  	[smem:$0x3FB2] =	sst s9;
	s0 =	simm.s32 @!p0 $0x0  }
0x12: {  	s1 =	sld [smem:$0x3F98];
	s0 =	simm.s32 @p0 $0x1  }
0x13: {  	[smem:$0x3FB3] =	sst s0;
	s0 =	simm.s32 @!p1 $0x0  }
0x14: {  	s2 =	sld [smem:$0x3F97];
	s0 =	simm.s32 @p1 $0x1  }
0x15: {  	[smem:$0x3FB4] =	sst s0;
	s0 =	simm.s32 @!p2 $0x0  }
0x16: {  	s3 =	sld [smem:$0x3FDB];
	s0 =	simm.s32 @p2 $0x1  }
0x17: {  	s4 =	simm.s32 $0x1BF5;
	[smem:$0x3FB6] =	sst s0  }
0x18: {  	s0 =	sld [smem:$0x3F99];
	_ =	swait.ge [sflag:s4], $0x0  }
0x19: {  	s7 =	sld [smem:$0x3F9A]  }
0x1a: {  	s8 =	sadd.s32 $0xFFFFE003, lr  }
0x1b: {  	s9 =	sadd.s32 $0xFFFFFEF7, lr;
	s5 =	simm.s32 $0xFFFFFFFF;
	p2 =	slt.u32 s8, $0xFFFFF086  }
0x1c: {  	p1 =	slt.u32 s9, $0xF7A;
	s5 =	simm.s32 @!p2 $0x0  }
0x1d: {  	s5 =	simm.s32 @p1 $0x1;
	p0 =	seq.s32 s7, s2  }
0x1e: {  	s7 =	smul.u32 @!p0 $0xF7A, s2;
	p2 =	seq.s32 @!p0 s5, $0x0  }
0x1f: {  	s9 =	smul.u32 $0xF7A, s1;
	s8 =	simm.s32 @!p0 $0x1BF5;
	p2 =	por !p2, p0  }
0x20: {  	[sflag:s8] =	ssyncset.s32 @!p0 $0xFFFFF086;
	s6 =	sadd.s32 @!p0 s3, s7;
	s7 =	simm.s32 @!p0 $0x108  }
0x21: {  	s3 =	sadd.s32 s3, s9;
	s6 =	sadd.s32 @!p0 $0x88, s6;
	s7 =	simm.s32 @p2 $0x1082  }
0x22: {  	[simem:s7], [sflag:s8] =	dma.local @!p0 [hbm:s6], $0xF7A  }
0x23: {  	s9 =	sor.u32 $0xD0000000, s2;
	s6 =	simm.s32 $0x108;
	_ =	swait.ge @!p0 [sflag:s8], $0x0  }
0x24: {  	s3 =	sadd.s32 $0x88, s3;
	s6 =	simm.s32 @!p1 $0x1082;
	[sflag:s4] =	ssyncset.s32 $0xFFFFF086  }
0x25: {  	[simem:s6], [sflag:s4] =	dma.local [hbm:s3], $0xF7A  }
0x26: {  	[smem:$0x3F9A] =	sst s1;
	(tag) =	ssettag s2;
	_ =	strace s9  }
0x27: {  	s1 =	sld [smem:$0x3FAA]  }
0x28: {  	s2 =	sld [smem:$0x3FAB]  }
0x29: {  	s4 =	sld [smem:$0x3FAD]  }
0x2a: {  	p0 =	seq.s32 s5, $0x0;
	s5 =	sld [smem:$0x3FAE]  }
0x2b: {  	s6 =	sld [smem:$0x3FAF]  }
0x2c: {  	s7 =	sld [smem:$0x3FB0]  }
0x2d: {  	s3 =	simm.s32 $0x108;
	s8 =	sld [smem:$0x3FB1]  }
0x2e: {  	s3 =	simm.s32 @!p0 $0x1082;
	s9 =	sld [smem:$0x3FB2]  }
0x2f: {  	lr =	sadd.s32 s0, s3;
	s0 =	sld [smem:$0x3FA9]  }
0x30: {  	s3 =	sld [smem:$0x3FAC]  }
0x31: {  	[smem:$0x3FB5] =	sst s10  }
0x32: {  	s10 =	sld [smem:$0x3FB3];
	_ =	sdelay $0x3  }
0x33: {  	p0 =	seq.s32 s10, $0x1;
	s10 =	sld [smem:$0x3FB5];
	_ =	sdelay $0x3  }
0x34: {  	[smem:$0x3FB5] =	sst s10  }
0x35: {  	s10 =	sld [smem:$0x3FB4];
	_ =	sdelay $0x3  }
0x36: {  	p1 =	seq.s32 s10, $0x1;
	s10 =	sld [smem:$0x3FB5];
	_ =	sdelay $0x3  }
0x37: {  	[smem:$0x3FB5] =	sst s10  }
0x38: {  	s10 =	sld [smem:$0x3FB6]  }
0x39: {  	_ = 	snop;
	(pc) =	sbr.ind lr, $3  }
0x3a: {  	_ = 	snop  }
0x3b: {  	_ = 	snop  }
0x3c: {  	p2 =	seq.s32 s10, $0x1;
	s10 =	sld [smem:$0x3FB5]  }
0x3d: {  	_ =	shalt  }
0x3e: {  	_ =	shalt  }
0x3f: {  	_ =	shalt  }
0x40: {  	_ =	shalt  }
0x41: {  	_ =	shalt  }
0x42: {  	_ =	shalt  }
0x43: {  	_ =	shalt  }
0x44: {  	_ =	shalt  }
0x45: {  	_ =	shalt  }
0x46: {  	_ =	shalt  }
0x47: {  	_ =	shalt  }
0x48: {  	_ =	shalt  }
0x49: {  	_ =	shalt  }
0x4a: {  	_ =	shalt  }
0x4b: {  	_ =	shalt  }
0x4c: {  	_ =	shalt  }
0x4d: {  	_ =	shalt  }
0x4e: {  	_ =	shalt  }
0x4f: {  	_ =	shalt  }
0x50: {  	_ =	shalt  }
0x51: {  	_ =	shalt  }
0x52: {  	_ =	shalt  }
0x53: {  	_ =	shalt  }
0x54: {  	_ =	shalt  }
0x55: {  	_ =	shalt  }
0x56: {  	_ =	shalt  }
0x57: {  	_ =	shalt  }
0x58: {  	_ =	shalt  }
0x59: {  	_ =	shalt  }
0x5a: {  	_ =	shalt  }
0x5b: {  	_ =	shalt  }
0x5c: {  	_ =	shalt  }
0x5d: {  	_ =	shalt  }
0x5e: {  	_ =	shalt  }
0x5f: {  	_ =	shalt  }
0x60: {  	_ =	shalt  }
0x61: {  	_ =	shalt  }
0x62: {  	_ =	shalt  }
0x63: {  	_ =	shalt  }
0x64: {  	_ =	shalt  }
0x65: {  	_ =	shalt  }
0x66: {  	_ =	shalt  }
0x67: {  	_ =	shalt  }
0x68: {  	_ =	shalt  }
0x69: {  	_ =	shalt  }
0x6a: {  	_ =	shalt  }
0x6b: {  	_ =	shalt  }
0x6c: {  	_ =	shalt  }
0x6d: {  	_ =	shalt  }
0x6e: {  	_ =	shalt  }
0x6f: {  	_ =	shalt  }
0x70: {  	_ =	shalt  }
0x71: {  	_ =	shalt  }
0x72: {  	_ =	shalt  }
0x73: {  	_ =	shalt  }
0x74: {  	_ =	shalt  }
0x75: {  	_ =	shalt  }
0x76: {  	_ =	shalt  }
0x77: {  	_ =	shalt  }
0x78: {  	_ =	shalt  }
0x79: {  	_ =	shalt  }
0x7a: {  	_ =	shalt  }
0x7b: {  	_ =	shalt  }
0x7c: {  	_ =	shalt  }
0x7d: {  	_ =	shalt  }
0x7e: {  	_ =	shalt  }
0x7f: {  	_ =	shalt  }
0x80: {  	_ =	shalt  }
0x81: {  	_ =	shalt  }
0x82: {  	_ =	shalt  }
0x83: {  	_ =	shalt  }
0x84: {  	_ =	shalt  }
0x85: {  	_ =	shalt  }
0x86: {  	_ =	shalt  }
0x87: {  	_ =	shalt  }
.Lfunc_end0:
.L_simem_size_0:
called_computation_lowered:
.L_overlay_start_0:
0x88: {  	s2 =	sld [smem:$0x3FD9]  }
0x89: {  	s3 =	sld [smem:$0x3FFE];
	_ =	sdelay $0x1  }
0x8a: {  	s1 =	srdreg.scid  }
0x8b: {  	s0 =	sand.u32 $0x1, s1  }
0x8c: {  	s17 =	sshll.u32 s0, $0xA;
	s2 =	sadd.s32 s3, s2  }
0x8d: {  	s2 =	sadd.s32 s2, s17  }
0x8e: {  	[smem:$0x3FC1] =	sst s2  }
0x8f: {  	_ = 	snop  }
0x90: {  	s2 =	sld [smem:$0x3FD0];
	(tm) =	ssettm $0x1  }
0x91: {  	s18 =	sld [smem:$0x3FFB];
	_ =	sdelay $0x3  }
0x92: {  	_ =	strace s18  }
0x93: {  	s3 =	sld [smem:$0x3FFC];
	_ =	sdelay $0x3  }
0x94: {  	_ =	strace s3  }
0x95: {  	s3 =	sld [smem:$0x3FFD];
	_ =	sdelay $0x3  }
0x96: {  	_ =	strace s3  }
0x97: {  	_ =	strace $0x8FFFFFFF  }
0x98: {  	s19 =	sld [smem:$0x3FDB];
	_ =	sdelay $0x1  }
0x99: {  	s4 =	simm.s32 $_scs_section_size  }
0x9a: {  	s5 =	simm.s32 $_size__tile_overlayer_lowered;
	s6 =	simm.s32 $_tile_overlayer_lowered  }
0x9b: {  	s22 =	simm.s32 $0x1BFF;
	s21 =	sshll.u32 s6, $0x1;
	s3 =	sadd.s32 s4, s19  }
0x9c: {  	s7 =	simm.s32 $0x0;
	s20 =	sshll.u32 s5, $0x1;
	s5 =	sadd.s32 s21, s3  }
0x9d: {  	[timem:s7], [sflag:s22] =	dma.local [hbm:s5], s20  }
0x9e: {  	_ =	swait.ge [sflag:s22], s20  }
0x9f: {  	s4 =	ssub.s32 $0x0, s20;
	[sflag:s22] =	ssyncset.done $0x0  }
0xa0: {  	[sflag:s22] =	ssyncadd.s32 s4;
	_ =	sdelay $0x1  }
0xa1: {  	s23 =	simm.s32 $0x1B8B  }
0xa2: {  	_ =	swait.ge [sflag:s23], $0x1  }
0xa3: {  	[sflag:s23] =	ssyncset.done $0x0  }
0xa4: {  	s25 =	simm.s32 $0x1B8E;
	s24 =	sld [smem:$0x3FFE];
	[sflag:s23] =	ssyncadd.s32 $0xFFFFFFFF  }
0xa5: {  	s26 =	simm.s32 $execute0_lowered;
	[smem:$0x3FD2] =	sst s25  }
0xa6: {  	s5 =	sshll.u32 s26, $0x1;
	_ =	strace $0x80000046;
	[dreg:$0x1] =	wrdreg $0xFFFFFFFF  }
0xa7: {  	s28 =	simm.s32 $_size_execute0_lowered;
	s3 =	sadd.s32 s3, s5;
	[dreg:$0x0] =	wrdreg $0x0  }
0xa8: {  	s5 =	sshll.u32 s28, $0x1;
	[dreg:$0x2] =	wrdreg s3  }
0xa9: {  	[dreg:$0x3] =	wrdreg s5  }
0xaa: {  	[dreg:$0x4] =	wrdreg $0xC0  }
0xab: {  	_ =	task [dreg:s7], $0x5FFFF  }
0xac: {  	[dreg:$0x1] =	wrdreg $0xFFFFFFFF  }
0xad: {  	[dreg:$0x0] =	wrdreg $0x60  }
0xae: {  	[dreg:$0x2] =	wrdreg s24  }
0xaf: {  	[dreg:$0x3] =	wrdreg s2  }
0xb0: {  	[dreg:$0x4] =	wrdreg $0x0  }
0xb1: {  	[dreg:$0x5] =	wrdreg $0xC380  }
0xb2: {  	[dreg:$0x6] =	wrdreg $0x18700  }
0xb3: {  	[dreg:$0x7] =	wrdreg $0x9  }
0xb4: {  	_ =	task.clear_ibuf [dreg:s7], $0x8FFFF;
	_ =	strace $0x90000046  }
0xb5: {  	s29 =	simm.s32 $0x9;
	_ =	strace $0x80000048  }
0xb6: {  	_ =	swait.ge [sflag:s29], $0x1  }
0xb7: {  	[sflag:s29] =	ssyncadd.s32 $0xFFFFFFFF  }
0xb8: {  	_ =	strace $0x90000048  }
0xb9: {  	_ =	sfence  }
0xba: {  	s30 =	sld [smem:$0x0];
	_ =	sdelay $0x2  }
0xbb: {  	s31 =	sshll.u32 s1, $0xD;
	s1 =	sshrl.u32 s1, $0x2  }
0xbc: {  	s3 =	sand.u32 $0x4000, s31;
	s1 =	sadd.s32 s1, s30  }
0xbd: {  	s0 =	sor.u32 s3, s0;
	s1 =	sshll.u32 s1, $0x11  }
0xbe: {  	s0 =	sor.u32 s1, s0  }
0xbf: {  	s0 =	sadd.s32 $0x8F2B, s0  }
0xc0: {  	[sflag:s0] =	ssyncadd.remote.s32 $0x1  }
0xc1: {  	_ =	sfence.sel $0xFFFF  }
0xc2: {  	[dreg:$0x0] =	wrdreg $0xFFFFFFFF;
	(pc) =	sbr.abs _section_cstart, $3  }
0xc3: {  	[dreg:$0x1] =	wrdreg $0xFFFFFFFF  }
0xc4: {  	_ =	task.clear_ibuf [dreg:s7], $0x2FFFF;
	_ =	strace $0x9FFFFFFF  }
0xc5: {  	(tm) =	ssettm $0x7FFFFFFF  }
tec
execute0_lowered:
.L_overlay_start_1:
0x0: {  	(tag) =	ssettag $0x1  }
0x1: {  	s10 =	rddreg [dreg:$0x0]  }
0x2: {  	s2 =	rddreg [dreg:$0x1]  }
0x3: {  	s3 =	rddreg [dreg:$0x2]  }
0x4: {  	s4 =	rddreg [dreg:$0x3]  }
0x5: {  	s5 =	rddreg [dreg:$0x4]  }
0x6: {  	s6 =	simm.s32 $0x0;
	s0 =	srdreg.scid;
	s31 =	stileid.u32  }
0x7: {  	s17 =	simm.s32 $0x24A8;
	s18 =	simm.s32 $0x2CA8;
	s19 =	simm.s32 $0x1  }
0x8: {  	s20 =	simm.s32 $0x7D0;
	s21 =	simm.s32 $0x34A8;
	s22 =	simm.s32 $0x3CA8  }
0x9: {  	s23 =	simm.s32 $0x44A8;
	s24 =	simm.s32 $0x4CA8;
	s28 =	simm.s32 $0x64A8  }
0xa: {  	s29 =	simm.s32 $0x2;
	s30 =	simm.s32 $0x0;
	[smem:$0x7FF] =	sst s6  }
0xb: {  	s7 =	sand.u32 $0x1, s0;
	s8 =	sadd.s32 $0x4E00, s10;
	s25 =	sadd.s32 $0x3400, s10  }
0xc: {  	s1 =	sadd.s32 $0x1A00, s10;
	s11 =	sadd.s32 $0x1D600, s10;
	p0 =	sne.s32 s31, $0x0  }
.Ltmp0:
0xd: {  	s12 =	sshll.u32 s31, $0x1;
	s26 =	ssub.s32 $0x2, s7;
	(pc) =	sbr.rel .LBB2_1-.Ltmp0, $4  }
0xe: {  	_ =	strace $0x80000047;
	[dreg:$0x6] =	wrdreg s25;
	s9 =	sshrl.u32 s26, $0x1  }
0xf: {  	[dreg:$0x7] =	wrdreg s1;
	s14 =	sshrl.u32 @!p0 s3, $0x3;
	s0 =	ssub.s32 s26, s9  }
0x10: {  	s15 =	sshrl.u32 @!p0 s4, $0x3;
	s16 =	sshrl.u32 @!p0 s5, $0x3;
	s0 =	smax.u32 s0, $0x1  }
0x11: {  	s25 =	simm.s32 $0x54A8;
	s26 =	simm.s32 $0x5CA8;
	[dreg:$0x8] =	wrdreg s0  }
.LBB2_7:
0x12: {  	s30 =	sadd.s32 $0x1, s30;
	s0 =	rddreg [dreg:$0x8]  }
0x13: {  	p1 =	sne.s32 s30, s0  }
.Ltmp1:
0x14: {  	_ = 	snop;
	(pc) =	sbr.rel @!p1 .LBB2_8-.Ltmp1, $1  }
0x15: {  	_ =	sdelay $0x3  }
.LBB2_1:
0x16: {  	s0 =	simm.s32 @!p0 $0x1C02;
	s1 =	rddreg [dreg:$0x6]  }
0x17: {  	[spmem:s14], [sflag:s0] =	dma.local @!p0 [hbm:s1], $0x1870  }
0x18: {  	s1 =	simm.s32 @!p0 $0x2  }
0x19: {  	_ =	swait.ge @!p0 [sflag:s1], $0x1870  }
0x1a: {  	[sflag:s1] =	ssyncset.done @!p0 $0x0  }
0x1b: {  	s9 =	rddreg [dreg:$0x7];
	[sflag:s1] =	ssyncadd.s32 @!p0 $0xFFFFE790  }
0x1c: {  	[spmem:s15], [sflag:s0] =	dma.local @!p0 [hbm:s9], $0x1870  }
0x1d: {  	_ =	swait.ge @!p0 [sflag:s1], $0x1870  }
0x1e: {  	[sflag:s1] =	ssyncset.done @!p0 $0x0  }
0x1f: {  	[sflag:s1] =	ssyncadd.s32 @!p0 $0xFFFFE790  }
0x20: {  	s9 =	rddreg [dreg:$0x0]  }
0x21: {  	[spmem:s16], [sflag:s0] =	dma.local @!p0 [hbm:s9], $0x1870  }
.Ltmp2:
0x22: {  	_ =	swait.ge @!p0 [sflag:s1], $0x1870;
	(pc) =	sbr.rel .LBB2_2-.Ltmp2, $4  }
0x23: {  	[sflag:s1] =	ssyncset.done @!p0 $0x0  }
0x24: {  	[sflag:s1] =	ssyncadd.s32 @!p0 $0xFFFFE790  }
0x25: {  	[bflag:$0x0] =	sbarrier.arrive $0xFFFF  }
0x26: {  	s31 =	simm.s32 $0x0  }
.LBB2_6:
0x27: {  	s31 =	sadd.s32 $0x1, s31  }
0x28: {  	p1 =	sne.s32 s31, $0xD  }
.Ltmp3:
0x29: {  	_ = 	snop;
	(pc) =	sbr.rel @!p1 .LBB2_7-.Ltmp3, $1  }
0x2a: {  	_ =	sdelay $0x3  }
.LBB2_2:
0x2b: {  	s0 =	sshll.u32 s31, $0x5  }
0x2c: {  	s0 =	sor.u32 s12, s0  }
0x2d: {  	p1 =	sgt.u32 s0, $0x18F  }
.Ltmp4:
0x2e: {  	_ = 	snop;
	(pc) =	sbr.rel @p1 .LBB2_6-.Ltmp4, $1  }
0x2f: {  	_ =	sdelay $0x3  }
0x30: {  	s0 =	sor.u32 s7, s0  }
0x31: {  	s0 =	smul.u32 $0xFA, s0;
	_ =	sdelay $0x1  }
0x32: {  	s9 =	simm.s32 $0x0;
	s1 =	sadd.s32 s8, s0  }
0x33: {  	[tilespmem:s17], [sflag:$0x1] =	stream.linear.gather [hbm4b:s1+s9], $0x7D0, $0x38;
	[tilespmem:$0x6CA8] =	vst v63  }
0x34: {  	s13 =	sadd.s32 s2, s0  }
0x35: {  	[tilespmem:s18], [sflag:$0x1] =	stream.linear.gather [hbm4b:s13+s9], $0x7D0, $0x38;
	[tilespmem:$0x6CA8] =	vst v63  }
0x36: {  	_ =	swait.ge [sflag:s19], $0x7D0  }
0x37: {  	[sflag:s19] =	ssyncset.done $0x0  }
0x38: {  	[sflag:s19] =	ssyncadd.s32 $0xFFFFF830  }
0x39: {  	_ =	swait.ge [sflag:s19], $0x7D0  }
0x3a: {  	[sflag:s19] =	ssyncset.done $0x0  }
0x3b: {  	[sflag:s19] =	ssyncadd.s32 $0xFFFFF830  }
0x3c: {  	[tilespmem:s21], [sflag:$0x1] =	stream.indirect.gather [spmem:s3], $0x1, s17, s20, $0xb8;
	[tilespmem:$0x6CA8] =	vst v63  }
0x3d: {  	_ = 	snop  }
0x3e: {  	[tilespmem:s22], [sflag:$0x1] =	stream.indirect.gather [spmem:s4], $0x1, s17, s20, $0xb8;
	[tilespmem:$0x6CA8] =	vst v63  }
0x3f: {  	_ = 	snop  }
0x40: {  	[tilespmem:s23], [sflag:$0x1] =	stream.indirect.gather [spmem:s5], $0x1, s17, s20, $0xb8;
	[tilespmem:$0x6CA8] =	vst v63  }
0x41: {  	_ = 	snop  }
0x42: {  	[tilespmem:s24], [sflag:$0x1] =	stream.indirect.gather [spmem:s3], $0x1, s18, s20, $0xb8;
	[tilespmem:$0x6CA8] =	vst v63  }
0x43: {  	_ = 	snop  }
0x44: {  	[tilespmem:s25], [sflag:$0x1] =	stream.indirect.gather [spmem:s4], $0x1, s18, s20, $0xb8;
	[tilespmem:$0x6CA8] =	vst v63  }
0x45: {  	_ = 	snop  }
0x46: {  	[tilespmem:s26], [sflag:$0x1] =	stream.indirect.gather [spmem:s5], $0x1, s18, s20, $0xb8;
	[tilespmem:$0x6CA8] =	vst v63  }
0x47: {  	_ =	swait.ge [sflag:s19], $0x7D0  }
0x48: {  	[sflag:s19] =	ssyncset.done $0x0  }
0x49: {  	[sflag:s19] =	ssyncadd.s32 $0xFFFFF830  }
0x4a: {  	_ =	swait.ge [sflag:s19], $0x7D0  }
0x4b: {  	[sflag:s19] =	ssyncset.done $0x0  }
0x4c: {  	[sflag:s19] =	ssyncadd.s32 $0xFFFFF830  }
0x4d: {  	_ =	swait.ge [sflag:s19], $0x7D0  }
0x4e: {  	[sflag:s19] =	ssyncset.done $0x0  }
0x4f: {  	[sflag:s19] =	ssyncadd.s32 $0xFFFFF830  }
0x50: {  	_ =	swait.ge [sflag:s19], $0x7D0  }
0x51: {  	[sflag:s19] =	ssyncset.done $0x0  }
0x52: {  	[sflag:s19] =	ssyncadd.s32 $0xFFFFF830  }
0x53: {  	_ =	swait.ge [sflag:s19], $0x7D0  }
0x54: {  	[sflag:s19] =	ssyncset.done $0x0  }
0x55: {  	[sflag:s19] =	ssyncadd.s32 $0xFFFFF830  }
0x56: {  	_ =	swait.ge [sflag:s19], $0x7D0  }
0x57: {  	[sflag:s19] =	ssyncset.done $0x0  }
0x58: {  	s1 =	simm.s32 $0x0;
	[sflag:s19] =	ssyncadd.s32 $0xFFFFF830  }
0x59: {  	v2 =	vld [tilespmem:s1+$0x34A8]  }
0x5a: {  	v3 =	vld [tilespmem:s1+$0x4CA8]  }
0x5b: {  	v4 =	vld [tilespmem:s1+$0x3CA8]  }
0x5c: {  	v5 =	vld [tilespmem:s1+$0x54A8]  }
0x5d: {  	v6 =	vld [tilespmem:s1+$0x44A8]  }
0x5e: {  	s9 =	simm.s32 $0x10;
	v7 =	vld [tilespmem:s1+$0x5CA8]  }
0x5f: {  	v0 =	vld [tilespmem:s9+$0x34A8]  }
0x60: {  	v1 =	vld [tilespmem:s9+$0x4CA8]  }
0x61: {  	v8 =	vsub.f32 v2, v3;
	v2 =	vld [tilespmem:s9+$0x3CA8];
	v9 =	vsub.f32 v4, v5  }
0x62: {  	v4 =	vld [tilespmem:s9+$0x54A8]  }
0x63: {  	s10 =	simm.s32 $0x80;
	v3 =	vld [tilespmem:s9+$0x44A8];
	v5 =	vsub.f32 v6, v7;
	v6 =	vmul.f32 v8, v8;
	v7 =	vmul.f32 v9, v9  }
.LBB2_4:
0x64: {  	s13 =	sshra.s32 s10, $0x2;
	v8 =	vld [tilespmem:s9+$0x5CA8];
	v9 =	vmov v0;
	p1 =	sne.s32 s10, $0x1F00  }
.Ltmp5:
0x65: {  	v0 =	vld [tilespmem:s13+$0x34A8];
	v6 =	vadd.f32 v7, v6;
	v5 =	vmul.f32 v5, v5;
	(pc) =	sbr.rel @p1 .LBB2_4-.Ltmp5, $4  }
0x66: {  	v7 =	vsub.f32 v9, v1;
	v1 =	vld [tilespmem:s13+$0x4CA8]  }
0x67: {  	s10 =	sadd.s32 $0x40, s10;
	v9 =	vsub.f32 v2, v4;
	v2 =	vld [tilespmem:s13+$0x3CA8];
	v10 =	vadd.f32 v5, v6  }
0x68: {  	v4 =	vld [tilespmem:s13+$0x54A8]  }
0x69: {  	v6 =	vmul.f32 v7, v7;
	v5 =	vsub.f32 v3, v8;
	v3 =	vld [tilespmem:s13+$0x44A8];
	v7 =	vmul.f32 v9, v9;
	[tilespmem:s1+$0x64A8] =	vst v10;
	s1 =	smov.u32 s9;
	s9 =	smov.u32 s13  }
0x6a: {  	v8 =	vld [tilespmem:s9+$0x5CA8];
	_ =	sdelay $0x2  }
0x6b: {  	v0 =	vsub.f32 v0, v1;
	v58 =	vsub.f32 v2, v4;
	_ =	sdelay $0x1  }
0x6c: {  	v0 =	vmul.f32 v0, v0;
	v59 =	vsub.f32 v3, v8;
	v1 =	vmul.f32 v58, v58  }
0x6d: {  	v60 =	vadd.f32 v7, v6;
	v61 =	vmul.f32 v5, v5  }
0x6e: {  	v0 =	vadd.f32 v1, v0;
	v62 =	vmul.f32 v59, v59  }
0x6f: {  	v63 =	vadd.f32 v61, v60  }
0x70: {  	v0 =	vadd.f32 v62, v0  }
0x71: {  	[tilespmem:s1+$0x64A8] =	vst v63  }
.Ltmp6:
0x72: {  	s0 =	sadd.s32 s11, s0;
	[tilespmem:s9+$0x64A8] =	vst v0;
	(pc) =	sbr.rel .LBB2_6-.Ltmp6, $4  }
0x73: {  	[hbm4b:s0+s6] =	stream.linear.scatter [tilespmem:s28], [sflag:$0x2], $0x7D0, $0x38;
	[tilespmem:$0x6CA8] =	vst v63  }
0x74: {  	_ =	swait.ge [sflag:s29], $0x7D0  }
0x75: {  	[sflag:s29] =	ssyncset.done $0x0  }
0x76: {  	[sflag:s29] =	ssyncadd.s32 $0xFFFFF830  }
.LBB2_8:
0x77: {  	_ =	sfence.sel $0x180000  }
0x78: {  	[bflag:$0x0] =	sbarrier.arrive $0xFFFF  }
0x79: {  	_ =	strace $0x90000047  }
0x7a: {  	[bflag:$0x2] =	sbarrier.arrive $0xFFFF  }
0x7b: {  	s0 =	rddreg [dreg:$0x5]  }
0x7c: {  	s0 =	sadd.s32 @!p0 $0x100000, s0  }
0x7d: {  	[sflag:s0] =	ssyncadd.tile.s32 @!p0 $0x1;
	_ =	shalt  }
.Lfunc_end2:
_tile_overlayer_lowered:
.L_overlay_start_2:
0x7e: {  	(tag) =	ssettag $0x2  }
0x7f: {  	s0 =	rddreg [dreg:$0x0];
	s2 =	stileid.u32  }
0x80: {  	s1 =	rddreg [dreg:$0x1];
	p0 =	sne.s32 s2, $0x0  }
0x81: {  	s3 =	rddreg [dreg:$0x2];
	[bflag:$0x3] =	sbarrier.arrive $0xFFFF;
	s2 =	simm.s32 @!p0 $0x1C02  }
0x82: {  	[timem:s3], [sflag:s2] =	dma.local @!p0 [hbm:s0], s1  }
0x83: {  	s0 =	simm.s32 @!p0 $0x2  }
0x84: {  	_ =	swait.ge @!p0 [sflag:s0], s1  }
0x85: {  	s1 =	ssub.s32 @!p0 $0x0, s1;
	[sflag:s0] =	ssyncset.done @!p0 $0x0  }
0x86: {  	[sflag:s0] =	ssyncadd.s32 @!p0 s1  }
0x87: {  	[bflag:$0x3] =	sbarrier.arrive $0xFFFF  }
0x88: {  	_ =	shalt  }

// kernel: kernel.8.cloned.1.call-start
scs
__scs_entry_jumppad:
0x0: {  	(pc) =	sbr.rel $0x88, $3  }
0x1: {  	(tag) =	ssettag $0x0;
	lr =	simm.s32 $0x1  }
0x2: {  	[smem:$0x3F9A] =	sst lr;
	_ =	strace $0xD0000000  }
0x3: {  	_ = 	snop  }
0x4: {  	_ = 	snop  }
0x5: {  	_ = 	snop  }
0x6: {  	_ = 	snop  }
0x7: {  	_ = 	snop  }
__scs_overlays_trampoline_lowered:
0x8: {  	[smem:$0x3FA9] =	sst s0  }
0x9: {  	[smem:$0x3FAA] =	sst s1  }
0xa: {  	[smem:$0x3FAB] =	sst s2  }
0xb: {  	[smem:$0x3FAC] =	sst s3  }
0xc: {  	[smem:$0x3FAD] =	sst s4  }
0xd: {  	[smem:$0x3FAE] =	sst s5  }
0xe: {  	[smem:$0x3FAF] =	sst s6  }
0xf: {  	[smem:$0x3FB0] =	sst s7  }
0x10: {  	[smem:$0x3FB1] =	sst s8  }
0x11: {  	[smem:$0x3FB2] =	sst s9;
	s0 =	simm.s32 @!p0 $0x0  }
0x12: {  	s1 =	sld [smem:$0x3F98];
	s0 =	simm.s32 @p0 $0x1  }
0x13: {  	[smem:$0x3FB3] =	sst s0;
	s0 =	simm.s32 @!p1 $0x0  }
0x14: {  	s2 =	sld [smem:$0x3F97];
	s0 =	simm.s32 @p1 $0x1  }
0x15: {  	[smem:$0x3FB4] =	sst s0;
	s0 =	simm.s32 @!p2 $0x0  }
0x16: {  	s3 =	sld [smem:$0x3FDB];
	s0 =	simm.s32 @p2 $0x1  }
0x17: {  	s4 =	simm.s32 $0x1BF5;
	[smem:$0x3FB6] =	sst s0  }
0x18: {  	s0 =	sld [smem:$0x3F99];
	_ =	swait.ge [sflag:s4], $0x0  }
0x19: {  	s7 =	sld [smem:$0x3F9A]  }
0x1a: {  	s8 =	sadd.s32 $0xFFFFE003, lr  }
0x1b: {  	s9 =	sadd.s32 $0xFFFFFEF7, lr;
	s5 =	simm.s32 $0xFFFFFFFF;
	p2 =	slt.u32 s8, $0xFFFFF086  }
0x1c: {  	p1 =	slt.u32 s9, $0xF7A;
	s5 =	simm.s32 @!p2 $0x0  }
0x1d: {  	s5 =	simm.s32 @p1 $0x1;
	p0 =	seq.s32 s7, s2  }
0x1e: {  	s7 =	smul.u32 @!p0 $0xF7A, s2;
	p2 =	seq.s32 @!p0 s5, $0x0  }
0x1f: {  	s9 =	smul.u32 $0xF7A, s1;
	s8 =	simm.s32 @!p0 $0x1BF5;
	p2 =	por !p2, p0  }
0x20: {  	[sflag:s8] =	ssyncset.s32 @!p0 $0xFFFFF086;
	s6 =	sadd.s32 @!p0 s3, s7;
	s7 =	simm.s32 @!p0 $0x108  }
0x21: {  	s3 =	sadd.s32 s3, s9;
	s6 =	sadd.s32 @!p0 $0x88, s6;
	s7 =	simm.s32 @p2 $0x1082  }
0x22: {  	[simem:s7], [sflag:s8] =	dma.local @!p0 [hbm:s6], $0xF7A  }
0x23: {  	s9 =	sor.u32 $0xD0000000, s2;
	s6 =	simm.s32 $0x108;
	_ =	swait.ge @!p0 [sflag:s8], $0x0  }
0x24: {  	s3 =	sadd.s32 $0x88, s3;
	s6 =	simm.s32 @!p1 $0x1082;
	[sflag:s4] =	ssyncset.s32 $0xFFFFF086  }
0x25: {  	[simem:s6], [sflag:s4] =	dma.local [hbm:s3], $0xF7A  }
0x26: {  	[smem:$0x3F9A] =	sst s1;
	(tag) =	ssettag s2;
	_ =	strace s9  }
0x27: {  	s1 =	sld [smem:$0x3FAA]  }
0x28: {  	s2 =	sld [smem:$0x3FAB]  }
0x29: {  	s4 =	sld [smem:$0x3FAD]  }
0x2a: {  	p0 =	seq.s32 s5, $0x0;
	s5 =	sld [smem:$0x3FAE]  }
0x2b: {  	s6 =	sld [smem:$0x3FAF]  }
0x2c: {  	s7 =	sld [smem:$0x3FB0]  }
0x2d: {  	s3 =	simm.s32 $0x108;
	s8 =	sld [smem:$0x3FB1]  }
0x2e: {  	s3 =	simm.s32 @!p0 $0x1082;
	s9 =	sld [smem:$0x3FB2]  }
0x2f: {  	lr =	sadd.s32 s0, s3;
	s0 =	sld [smem:$0x3FA9]  }
0x30: {  	s3 =	sld [smem:$0x3FAC]  }
0x31: {  	[smem:$0x3FB5] =	sst s10  }
0x32: {  	s10 =	sld [smem:$0x3FB3];
	_ =	sdelay $0x3  }
0x33: {  	p0 =	seq.s32 s10, $0x1;
	s10 =	sld [smem:$0x3FB5];
	_ =	sdelay $0x3  }
0x34: {  	[smem:$0x3FB5] =	sst s10  }
0x35: {  	s10 =	sld [smem:$0x3FB4];
	_ =	sdelay $0x3  }
0x36: {  	p1 =	seq.s32 s10, $0x1;
	s10 =	sld [smem:$0x3FB5];
	_ =	sdelay $0x3  }
0x37: {  	[smem:$0x3FB5] =	sst s10  }
0x38: {  	s10 =	sld [smem:$0x3FB6]  }
0x39: {  	_ = 	snop;
	(pc) =	sbr.ind lr, $3  }
0x3a: {  	_ = 	snop  }
0x3b: {  	_ = 	snop  }
0x3c: {  	p2 =	seq.s32 s10, $0x1;
	s10 =	sld [smem:$0x3FB5]  }
0x3d: {  	_ =	shalt  }
0x3e: {  	_ =	shalt  }
0x3f: {  	_ =	shalt  }
0x40: {  	_ =	shalt  }
0x41: {  	_ =	shalt  }
0x42: {  	_ =	shalt  }
0x43: {  	_ =	shalt  }
0x44: {  	_ =	shalt  }
0x45: {  	_ =	shalt  }
0x46: {  	_ =	shalt  }
0x47: {  	_ =	shalt  }
0x48: {  	_ =	shalt  }
0x49: {  	_ =	shalt  }
0x4a: {  	_ =	shalt  }
0x4b: {  	_ =	shalt  }
0x4c: {  	_ =	shalt  }
0x4d: {  	_ =	shalt  }
0x4e: {  	_ =	shalt  }
0x4f: {  	_ =	shalt  }
0x50: {  	_ =	shalt  }
0x51: {  	_ =	shalt  }
0x52: {  	_ =	shalt  }
0x53: {  	_ =	shalt  }
0x54: {  	_ =	shalt  }
0x55: {  	_ =	shalt  }
0x56: {  	_ =	shalt  }
0x57: {  	_ =	shalt  }
0x58: {  	_ =	shalt  }
0x59: {  	_ =	shalt  }
0x5a: {  	_ =	shalt  }
0x5b: {  	_ =	shalt  }
0x5c: {  	_ =	shalt  }
0x5d: {  	_ =	shalt  }
0x5e: {  	_ =	shalt  }
0x5f: {  	_ =	shalt  }
0x60: {  	_ =	shalt  }
0x61: {  	_ =	shalt  }
0x62: {  	_ =	shalt  }
0x63: {  	_ =	shalt  }
0x64: {  	_ =	shalt  }
0x65: {  	_ =	shalt  }
0x66: {  	_ =	shalt  }
0x67: {  	_ =	shalt  }
0x68: {  	_ =	shalt  }
0x69: {  	_ =	shalt  }
0x6a: {  	_ =	shalt  }
0x6b: {  	_ =	shalt  }
0x6c: {  	_ =	shalt  }
0x6d: {  	_ =	shalt  }
0x6e: {  	_ =	shalt  }
0x6f: {  	_ =	shalt  }
0x70: {  	_ =	shalt  }
0x71: {  	_ =	shalt  }
0x72: {  	_ =	shalt  }
0x73: {  	_ =	shalt  }
0x74: {  	_ =	shalt  }
0x75: {  	_ =	shalt  }
0x76: {  	_ =	shalt  }
0x77: {  	_ =	shalt  }
0x78: {  	_ =	shalt  }
0x79: {  	_ =	shalt  }
0x7a: {  	_ =	shalt  }
0x7b: {  	_ =	shalt  }
0x7c: {  	_ =	shalt  }
0x7d: {  	_ =	shalt  }
0x7e: {  	_ =	shalt  }
0x7f: {  	_ =	shalt  }
0x80: {  	_ =	shalt  }
0x81: {  	_ =	shalt  }
0x82: {  	_ =	shalt  }
0x83: {  	_ =	shalt  }
0x84: {  	_ =	shalt  }
0x85: {  	_ =	shalt  }
0x86: {  	_ =	shalt  }
0x87: {  	_ =	shalt  }
.Lfunc_end0:
.L_simem_size_0:
called_computation.1_lowered:
.L_overlay_start_0:
0x88: {  	s2 =	sld [smem:$0x3FD9]  }
0x89: {  	s3 =	sld [smem:$0x3FFE];
	_ =	sdelay $0x1  }
0x8a: {  	s1 =	srdreg.scid  }
0x8b: {  	s0 =	sand.u32 $0x1, s1  }
0x8c: {  	s17 =	sshll.u32 s0, $0xA;
	s2 =	sadd.s32 s3, s2  }
0x8d: {  	s2 =	sadd.s32 s2, s17  }
0x8e: {  	[smem:$0x3FC1] =	sst s2  }
0x8f: {  	_ = 	snop  }
0x90: {  	s2 =	sld [smem:$0x3FC7]  }
0x91: {  	s18 =	sld [smem:$0x3FC6]  }
0x92: {  	s4 =	sld [smem:$0x3FC5]  }
0x93: {  	s5 =	sld [smem:$0x3FC4]  }
0x94: {  	s6 =	sld [smem:$0x3FD0];
	(tm) =	ssettm $0x1  }
0x95: {  	s7 =	sld [smem:$0x3FFB];
	_ =	sdelay $0x3  }
0x96: {  	_ =	strace s7  }
0x97: {  	s7 =	sld [smem:$0x3FFC];
	_ =	sdelay $0x3  }
0x98: {  	_ =	strace s7  }
0x99: {  	s7 =	sld [smem:$0x3FFD];
	_ =	sdelay $0x3  }
0x9a: {  	_ =	strace s7  }
0x9b: {  	_ =	strace $0x8FFFFFFF  }
0x9c: {  	s19 =	sld [smem:$0x3FDB];
	_ =	sdelay $0x1  }
0x9d: {  	s8 =	simm.s32 $_scs_section_size  }
0x9e: {  	s9 =	simm.s32 $_size__tile_overlayer_lowered;
	s10 =	simm.s32 $_tile_overlayer_lowered  }
0x9f: {  	s22 =	simm.s32 $0x1BFF;
	s21 =	sshll.u32 s10, $0x1;
	s7 =	sadd.s32 s8, s19  }
0xa0: {  	s11 =	simm.s32 $0x0;
	s20 =	sshll.u32 s9, $0x1;
	s9 =	sadd.s32 s21, s7  }
0xa1: {  	[timem:s11], [sflag:s22] =	dma.local [hbm:s9], s20  }
0xa2: {  	_ =	swait.ge [sflag:s22], s20  }
0xa3: {  	s8 =	ssub.s32 $0x0, s20;
	[sflag:s22] =	ssyncset.done $0x0  }
0xa4: {  	[sflag:s22] =	ssyncadd.s32 s8;
	_ =	sdelay $0x1  }
0xa5: {  	s23 =	simm.s32 $0x1B8B  }
0xa6: {  	_ =	swait.ge [sflag:s23], $0x1  }
0xa7: {  	[sflag:s23] =	ssyncset.done $0x0  }
0xa8: {  	s25 =	simm.s32 $0x1B8E;
	s24 =	sld [smem:$0x3FFE];
	[sflag:s23] =	ssyncadd.s32 $0xFFFFFFFF  }
0xa9: {  	s26 =	simm.s32 $execute0_lowered;
	[smem:$0x3FD2] =	sst s25  }
0xaa: {  	s9 =	sshll.u32 s26, $0x1;
	_ =	strace $0x80000049;
	[dreg:$0x1] =	wrdreg $0xFFFFFFFF  }
0xab: {  	s28 =	simm.s32 $_size_execute0_lowered;
	s7 =	sadd.s32 s7, s9;
	[dreg:$0x0] =	wrdreg $0x0  }
0xac: {  	s9 =	sshll.u32 s28, $0x1;
	[dreg:$0x2] =	wrdreg s7  }
0xad: {  	[dreg:$0x3] =	wrdreg s9  }
0xae: {  	[dreg:$0x4] =	wrdreg $0xC0  }
0xaf: {  	_ =	task [dreg:s11], $0x5FFFF  }
0xb0: {  	[dreg:$0x1] =	wrdreg $0xFFFFFFFF  }
0xb1: {  	[dreg:$0x0] =	wrdreg $0x60  }
0xb2: {  	[dreg:$0x2] =	wrdreg s2  }
0xb3: {  	[dreg:$0x3] =	wrdreg s18  }
0xb4: {  	[dreg:$0x4] =	wrdreg s4  }
0xb5: {  	[dreg:$0x5] =	wrdreg s5  }
0xb6: {  	[dreg:$0x6] =	wrdreg s24  }
0xb7: {  	[dreg:$0x7] =	wrdreg s6  }
0xb8: {  	[dreg:$0x8] =	wrdreg $0x0  }
0xb9: {  	[dreg:$0x9] =	wrdreg $0xC380  }
0xba: {  	[dreg:$0xa] =	wrdreg $0x18700  }
0xbb: {  	[dreg:$0xb] =	wrdreg $0x24A80  }
0xbc: {  	[dreg:$0xc] =	wrdreg $0x9  }
0xbd: {  	_ =	task.clear_ibuf [dreg:s11], $0xDFFFF;
	_ =	strace $0x90000049  }
0xbe: {  	s29 =	simm.s32 $0x9;
	_ =	strace $0x8000004B  }
0xbf: {  	_ =	swait.ge [sflag:s29], $0x1  }
0xc0: {  	[sflag:s29] =	ssyncadd.s32 $0xFFFFFFFF  }
0xc1: {  	_ =	strace $0x9000004B  }
0xc2: {  	_ =	sfence  }
0xc3: {  	s30 =	sld [smem:$0x0];
	_ =	sdelay $0x2  }
0xc4: {  	s31 =	sshll.u32 s1, $0xD;
	s1 =	sshrl.u32 s1, $0x2  }
0xc5: {  	s3 =	sand.u32 $0x4000, s31;
	s1 =	sadd.s32 s1, s30  }
0xc6: {  	s0 =	sor.u32 s3, s0;
	s1 =	sshll.u32 s1, $0x11  }
0xc7: {  	s0 =	sor.u32 s1, s0  }
0xc8: {  	s0 =	sadd.s32 $0x8F2B, s0  }
0xc9: {  	[sflag:s0] =	ssyncadd.remote.s32 $0x1  }
0xca: {  	_ =	sfence.sel $0xFFFF  }
0xcb: {  	[dreg:$0x0] =	wrdreg $0xFFFFFFFF;
	(pc) =	sbr.abs _section_cstart, $3  }
0xcc: {  	[dreg:$0x1] =	wrdreg $0xFFFFFFFF  }
0xcd: {  	_ =	task.clear_ibuf [dreg:s11], $0x2FFFF;
	_ =	strace $0x9FFFFFFF  }
0xce: {  	(tm) =	ssettm $0x7FFFFFFF  }
0xcf: {  	_ =	shalt  }
tec
execute0_lowered:
.L_overlay_start_1:
0x0: {  	(tag) =	ssettag $0x1  }
0x1: {  	s1 =	rddreg [dreg:$0x4]  }
0x2: {  	s7 =	rddreg [dreg:$0x6]  }
0x3: {  	s8 =	rddreg [dreg:$0x7]  }
0x4: {  	s9 =	rddreg [dreg:$0x8]  }
0x5: {  	s3 =	rddreg [dreg:$0x9];
	s11 =	simm.s32 $0x0;
	s0 =	srdreg.scid  }
0x6: {  	s25 =	stileid.u32;
	s28 =	simm.s32 $0xFFF8;
	s29 =	simm.s32 $0x1  }
0x7: {  	s30 =	simm.s32 $0x7D0;
	s31 =	simm.s32 $0x14FF8;
	s12 =	simm.s32 $0x117F8  }
0x8: {  	s13 =	simm.s32 $0x11FF8;
	s15 =	simm.s32 $0x127F8;
	s19 =	simm.s32 $0x12FF8  }
0x9: {  	s20 =	simm.s32 $0x137F8;
	s21 =	simm.s32 $0x13FF8;
	[smem:$0x7FF] =	sst s11  }
0xa: {  	s2 =	sadd.s32 $0x3400, s1;
	s22 =	sadd.s32 $0x1A00, s1;
	s14 =	sand.u32 $0x1, s0  }
0xb: {  	s23 =	sadd.s32 $0x1D600, s1;
	s16 =	sadd.s32 $0x4E00, s1;
	s17 =	sadd.s32 $0x35E00, s1  }
0xc: {  	s18 =	sshll.u32 s25, $0x1;
	p0 =	sne.s32 s25, $0x0;
	s24 =	ssub.s32 $0x2, s14  }
0xd: {  	_ =	strace $0x8000004A;
	[dreg:$0xb] =	wrdreg s2;
	s26 =	sshrl.u32 s24, $0x1  }
0xe: {  	s25 =	simm.s32 $0xEFF8;
	[dreg:$0xc] =	wrdreg s22;
	s0 =	ssub.s32 s24, s26  }
0xf: {  	[dreg:$0xd] =	wrdreg s23;
	s22 =	simm.s32 $0x147F8;
	s0 =	smax.u32 s0, $0x1  }
.Ltmp0:
0x10: {  	[dreg:$0xe] =	wrdreg s0;
	s0 =	sshrl.u32 @!p0 s7, $0x3;
	(pc) =	sbr.rel .LBB2_1-.Ltmp0, $4  }
0x11: {  	s23 =	simm.s32 $0x157F8;
	[dreg:$0xf] =	wrdreg s0;
	s0 =	sshrl.u32 @!p0 s8, $0x3  }
0x12: {  	s2 =	simm.s32 $0x0;
	[dreg:$0x10] =	wrdreg s0;
	s0 =	sshrl.u32 @!p0 s9, $0x3  }
0x13: {  	s24 =	simm.s32 $0xE7F8;
	[dreg:$0x11] =	wrdreg s0;
	s0 =	sshrl.u32 @!p0 s3, $0x3  }
0x14: {  	s26 =	simm.s32 $0xF7F8;
	[dreg:$0x12] =	wrdreg s0;
	s0 =	simm.s32 $0x15FF8  }
.LBB2_7:
0x15: {  	s2 =	rddreg [dreg:$0x13]  }
0x16: {  	s1 =	rddreg [dreg:$0xe];
	s2 =	sadd.s32 $0x1, s2  }
0x17: {  	p1 =	sne.s32 s2, s1  }
.Ltmp1:
0x18: {  	_ = 	snop;
	(pc) =	sbr.rel @!p1 .LBB2_8-.Ltmp1, $1  }
0x19: {  	_ =	sdelay $0x3  }
.LBB2_1:
0x1a: {  	[dreg:$0x13] =	wrdreg s2  }
0x1b: {  	s2 =	rddreg [dreg:$0xb]  }
0x1c: {  	s1 =	simm.s32 @!p0 $0x1C02;
	s3 =	rddreg [dreg:$0xf]  }
0x1d: {  	[spmem:s3], [sflag:s1] =	dma.local @!p0 [hbm:s2], $0x1870  }
0x1e: {  	s2 =	simm.s32 @!p0 $0x2  }
0x1f: {  	_ =	swait.ge @!p0 [sflag:s2], $0x1870  }
0x20: {  	[sflag:s2] =	ssyncset.done @!p0 $0x0;
	s3 =	rddreg [dreg:$0xc]  }
0x21: {  	s4 =	rddreg [dreg:$0x10];
	[sflag:s2] =	ssyncadd.s32 @!p0 $0xFFFFE790  }
0x22: {  	[spmem:s4], [sflag:s1] =	dma.local @!p0 [hbm:s3], $0x1870  }
0x23: {  	_ =	swait.ge @!p0 [sflag:s2], $0x1870  }
0x24: {  	[sflag:s2] =	ssyncset.done @!p0 $0x0  }
0x25: {  	s4 =	rddreg [dreg:$0x11];
	[sflag:s2] =	ssyncadd.s32 @!p0 $0xFFFFE790  }
0x26: {  	s3 =	rddreg [dreg:$0x4]  }
0x27: {  	[spmem:s4], [sflag:s1] =	dma.local @!p0 [hbm:s3], $0x1870  }
0x28: {  	_ =	swait.ge @!p0 [sflag:s2], $0x1870  }
0x29: {  	[sflag:s2] =	ssyncset.done @!p0 $0x0;
	s3 =	rddreg [dreg:$0xd]  }
0x2a: {  	s4 =	rddreg [dreg:$0x12];
	[sflag:s2] =	ssyncadd.s32 @!p0 $0xFFFFE790  }
0x2b: {  	[spmem:s4], [sflag:s1] =	dma.local @!p0 [hbm:s3], $0x186A0  }
.Ltmp2:
0x2c: {  	_ =	swait.ge @!p0 [sflag:s2], $0x186A0;
	(pc) =	sbr.rel .LBB2_2-.Ltmp2, $4  }
0x2d: {  	[sflag:s2] =	ssyncset.done @!p0 $0x0  }
0x2e: {  	[sflag:s2] =	ssyncadd.s32 @!p0 $0xFFFE7960  }
0x2f: {  	[bflag:$0x0] =	sbarrier.arrive $0xFFFF  }
0x30: {  	s2 =	simm.s32 $0x0  }
.LBB2_6:
0x31: {  	s2 =	sadd.s32 $0x1, s2  }
0x32: {  	p1 =	sne.s32 s2, $0xD  }
.Ltmp3:
0x33: {  	_ = 	snop;
	(pc) =	sbr.rel @!p1 .LBB2_7-.Ltmp3, $1  }
0x34: {  	_ =	sdelay $0x3  }
.LBB2_2:
0x35: {  	s1 =	sshll.u32 s2, $0x5  }
0x36: {  	s1 =	sor.u32 s18, s1  }
0x37: {  	p1 =	sgt.u32 s1, $0x18F  }
.Ltmp4:
0x38: {  	_ = 	snop;
	(pc) =	sbr.rel @p1 .LBB2_6-.Ltmp4, $1  }
0x39: {  	_ =	sdelay $0x3  }
0x3a: {  	s1 =	sor.u32 s14, s1  }
0x3b: {  	s3 =	smul.u32 $0xFA, s1  }
0x3c: {  	s5 =	rddreg [dreg:$0x0]  }
0x3d: {  	s6 =	rddreg [dreg:$0x1];
	s1 =	sadd.s32 s5, s3;
	s5 =	simm.s32 $0x0  }
0x3e: {  	[tilespmem:s24], [sflag:$0x1] =	stream.linear.gather [hbm4b:s1+s5], $0x7D0, $0x38;
	[tilespmem:$0x167F8] =	vst v63  }
0x3f: {  	s10 =	rddreg [dreg:$0x2];
	s1 =	sadd.s32 s6, s3  }
0x40: {  	[tilespmem:s25], [sflag:$0x1] =	stream.linear.gather [hbm4b:s1+s5], $0x7D0, $0x38;
	[tilespmem:$0x167F8] =	vst v63  }
0x41: {  	s4 =	rddreg [dreg:$0x3];
	s1 =	sadd.s32 s10, s3  }
0x42: {  	[tilespmem:s26], [sflag:$0x1] =	stream.linear.gather [hbm4b:s1+s5], $0x7D0, $0x38;
	[tilespmem:$0x167F8] =	vst v63  }
0x43: {  	s1 =	sadd.s32 s4, s3  }
0x44: {  	[tilespmem:s28], [sflag:$0x1] =	stream.linear.gather [hbm4b:s1+s5], $0x7D0, $0x38;
	[tilespmem:$0x167F8] =	vst v63  }
0x45: {  	_ =	swait.ge [sflag:s29], $0x7D0  }
0x46: {  	[sflag:s29] =	ssyncset.done $0x0  }
0x47: {  	[sflag:s29] =	ssyncadd.s32 $0xFFFFF830  }
0x48: {  	_ =	swait.ge [sflag:s29], $0x7D0  }
0x49: {  	[sflag:s29] =	ssyncset.done $0x0  }
0x4a: {  	[sflag:s29] =	ssyncadd.s32 $0xFFFFF830  }
0x4b: {  	_ =	swait.ge [sflag:s29], $0x7D0  }
0x4c: {  	[sflag:s29] =	ssyncset.done $0x0  }
0x4d: {  	[sflag:s29] =	ssyncadd.s32 $0xFFFFF830  }
0x4e: {  	_ =	swait.ge [sflag:s29], $0x7D0  }
0x4f: {  	[sflag:s29] =	ssyncset.done $0x0  }
0x50: {  	[sflag:s29] =	ssyncadd.s32 $0xFFFFF830  }
0x51: {  	s5 =	rddreg [dreg:$0x9]  }
0x52: {  	[tilespmem:s31], [sflag:$0x1] =	stream.indirect.gather [spmem:s5], $0x1, s28, s30, $0xb8;
	[tilespmem:$0x167F8] =	vst v63  }
0x53: {  	s6 =	simm.s32 $0x107F8  }
0x54: {  	[tilespmem:s6], [sflag:$0x1] =	stream.indirect.gather [spmem:s7], $0x1, s24, s30, $0xb8;
	[tilespmem:$0x167F8] =	vst v63  }
0x55: {  	s10 =	simm.s32 $0x10FF8  }
0x56: {  	[tilespmem:s10], [sflag:$0x1] =	stream.indirect.gather [spmem:s8], $0x1, s24, s30, $0xb8;
	[tilespmem:$0x167F8] =	vst v63  }
0x57: {  	_ = 	snop  }
0x58: {  	[tilespmem:s12], [sflag:$0x1] =	stream.indirect.gather [spmem:s9], $0x1, s24, s30, $0xb8;
	[tilespmem:$0x167F8] =	vst v63  }
0x59: {  	_ = 	snop  }
0x5a: {  	[tilespmem:s13], [sflag:$0x1] =	stream.indirect.gather [spmem:s7], $0x1, s25, s30, $0xb8;
	[tilespmem:$0x167F8] =	vst v63  }
0x5b: {  	_ = 	snop  }
0x5c: {  	[tilespmem:s15], [sflag:$0x1] =	stream.indirect.gather [spmem:s8], $0x1, s25, s30, $0xb8;
	[tilespmem:$0x167F8] =	vst v63  }
0x5d: {  	_ = 	snop  }
0x5e: {  	[tilespmem:s19], [sflag:$0x1] =	stream.indirect.gather [spmem:s9], $0x1, s25, s30, $0xb8;
	[tilespmem:$0x167F8] =	vst v63  }
0x5f: {  	_ = 	snop  }
0x60: {  	[tilespmem:s20], [sflag:$0x1] =	stream.indirect.gather [spmem:s7], $0x1, s26, s30, $0xb8;
	[tilespmem:$0x167F8] =	vst v63  }
0x61: {  	_ = 	snop  }
0x62: {  	[tilespmem:s21], [sflag:$0x1] =	stream.indirect.gather [spmem:s8], $0x1, s26, s30, $0xb8;
	[tilespmem:$0x167F8] =	vst v63  }
0x63: {  	_ = 	snop  }
0x64: {  	[tilespmem:s22], [sflag:$0x1] =	stream.indirect.gather [spmem:s9], $0x1, s26, s30, $0xb8;
	[tilespmem:$0x167F8] =	vst v63  }
0x65: {  	_ =	swait.ge [sflag:s29], $0x7D0  }
0x66: {  	[sflag:s29] =	ssyncset.done $0x0  }
0x67: {  	[sflag:s29] =	ssyncadd.s32 $0xFFFFF830  }
0x68: {  	_ =	swait.ge [sflag:s29], $0x7D0  }
0x69: {  	[sflag:s29] =	ssyncset.done $0x0  }
0x6a: {  	[sflag:s29] =	ssyncadd.s32 $0xFFFFF830  }
0x6b: {  	_ =	swait.ge [sflag:s29], $0x7D0  }
0x6c: {  	[sflag:s29] =	ssyncset.done $0x0  }
0x6d: {  	[sflag:s29] =	ssyncadd.s32 $0xFFFFF830  }
0x6e: {  	_ =	swait.ge [sflag:s29], $0x7D0  }
0x6f: {  	[sflag:s29] =	ssyncset.done $0x0  }
0x70: {  	[sflag:s29] =	ssyncadd.s32 $0xFFFFF830  }
0x71: {  	_ =	swait.ge [sflag:s29], $0x7D0  }
0x72: {  	[sflag:s29] =	ssyncset.done $0x0  }
0x73: {  	[sflag:s29] =	ssyncadd.s32 $0xFFFFF830  }
0x74: {  	_ =	swait.ge [sflag:s29], $0x7D0  }
0x75: {  	[sflag:s29] =	ssyncset.done $0x0  }
0x76: {  	[sflag:s29] =	ssyncadd.s32 $0xFFFFF830  }
0x77: {  	_ =	swait.ge [sflag:s29], $0x7D0  }
0x78: {  	[sflag:s29] =	ssyncset.done $0x0  }
0x79: {  	[sflag:s29] =	ssyncadd.s32 $0xFFFFF830  }
0x7a: {  	_ =	swait.ge [sflag:s29], $0x7D0  }
0x7b: {  	[sflag:s29] =	ssyncset.done $0x0  }
0x7c: {  	[sflag:s29] =	ssyncadd.s32 $0xFFFFF830  }
0x7d: {  	_ =	swait.ge [sflag:s29], $0x7D0  }
0x7e: {  	[sflag:s29] =	ssyncset.done $0x0  }
0x7f: {  	[sflag:s29] =	ssyncadd.s32 $0xFFFFF830  }
0x80: {  	_ =	swait.ge [sflag:s29], $0x7D0  }
0x81: {  	[sflag:s29] =	ssyncset.done $0x0  }
0x82: {  	s6 =	simm.s32 $0x0;
	[sflag:s29] =	ssyncadd.s32 $0xFFFFF830  }
0x83: {  	v0 =	vld [tilespmem:s6+$0x107F8]  }
0x84: {  	v1 =	vld [tilespmem:s6+$0x10FF8]  }
0x85: {  	v2 =	vld [tilespmem:s6+$0x117F8]  }
0x86: {  	v3 =	vld [tilespmem:s6+$0x11FF8]  }
0x87: {  	v4 =	vld [tilespmem:s6+$0x127F8]  }
0x88: {  	v5 =	vld [tilespmem:s6+$0x12FF8]  }
0x89: {  	v6 =	vld [tilespmem:s6+$0x13FF8]  }
0x8a: {  	v7 =	vld [tilespmem:s6+$0x147F8]  }
0x8b: {  	s1 =	simm.s32 $0x10;
	v8 =	vld [tilespmem:s6+$0x137F8]  }
0x8c: {  	v9 =	vld [tilespmem:s1+$0x107F8]  }
0x8d: {  	v10 =	vld [tilespmem:s1+$0x10FF8]  }
0x8e: {  	v15 =	vld [tilespmem:s1+$0x13FF8]  }
0x8f: {  	v12 =	vld [tilespmem:s1+$0x11FF8];
	v4 =	vsub.f32 v4, v1;
	v1 =	vsub.f32 v6, v1  }
0x90: {  	v11 =	vld [tilespmem:s1+$0x117F8];
	v5 =	vsub.f32 v5, v2;
	v13 =	vsub.f32 v7, v2  }
0x91: {  	v20 =	vld [tilespmem:s1+$0x137F8];
	v3 =	vsub.f32 v3, v0;
	v0 =	vsub.f32 v8, v0;
	v6 =	vmul.f32 v1, v4  }
0x92: {  	v2 =	vld [tilespmem:s1+$0x127F8];
	v7 =	vmul.f32 v13, v4;
	v14 =	vmul.f32 v1, v5  }
0x93: {  	v8 =	vld [tilespmem:s1+$0x12FF8];
	v15 =	vsub.f32 v15, v10;
	v16 =	vmul.f32 v0, v5;
	v17 =	vmul.f32 v13, v3  }
0x94: {  	v18 =	vld [tilespmem:s1+$0x147F8];
	v22 =	vsub.f32 v12, v9;
	v19 =	vmul.f32 v0, v3;
	v1 =	vmul.f32 v1, v3  }
0x95: {  	s10 =	simm.s32 $0x20;
	v4 =	vmul.f32 v0, v4;
	v3 =	vsub.f32 v7, v14;
	v7 =	vsub.f32 v16, v17  }
0x96: {  	v12 =	vsub.f32 v20, v9;
	v0 =	vld [tilespmem:s10+$0x107F8];
	v13 =	vmul.f32 v13, v5;
	v21 =	vadd.f32 v6, v19  }
0x97: {  	v5 =	vld [tilespmem:s10+$0x11FF8];
	v4 =	vsub.f32 v1, v4;
	v14 =	vmul.f32 v3, v3;
	v16 =	vmul.f32 v7, v7  }
0x98: {  	v6 =	vld [tilespmem:s10+$0x10FF8];
	v2 =	vsub.f32 v2, v10;
	v1 =	vsub.f32 v8, v11  }
0x99: {  	v10 =	vld [tilespmem:s10+$0x127F8];
	v3 =	vsub.f32 v18, v11;
	v11 =	vadd.f32 v16, v14;
	v14 =	vmul.f32 v4, v4  }
0x9a: {  	v8 =	vld [tilespmem:s10+$0x12FF8];
	v9 =	vadd.f32 v13, v21;
	v13 =	vmul.f32 v12, v22  }
0x9b: {  	v7 =	vld [tilespmem:s10+$0x117F8];
	v18 =	vmul.f32 v15, v1;
	v17 =	vmul.f32 v12, v1;
	v20 =	vadd.f32 v11, v14  }
0x9c: {  	v16 =	vmul.f32 v3, v2;
	v19 =	vmul.f32 v3, v22;
	v11 =	vld [tilespmem:s10+$0x13FF8]  }
0x9d: {  	s5 =	simm.s32 $0xC0;
	v4 =	vmul.f32 v15, v2;
	v15 =	vmul.f32 v15, v22;
	v14 =	vld [tilespmem:s10+$0x147F8];
	[tilespmem:s6+$0x15FF8] =	vst v20  }
.LBB2_4:
0x9e: {  	s4 =	sshra.s32 s5, $0x2;
	p1 =	sne.s32 s5, $0x1F00;
	v20 =	vld [tilespmem:s10+$0x137F8];
	v16 =	vsub.f32 v16, v18;
	v17 =	vsub.f32 v17, v19;
	v12 =	vmul.f32 v12, v2;
	[tilespmem:s6+$0x157F8] =	vst v9;
	s6 =	smov.u32 s1  }
0x9f: {  	v21 =	vmul.f32 v3, v1;
	s1 =	smov.u32 s10;
	v9 =	vld [tilespmem:s4+$0x107F8];
	v2 =	vsub.f32 v10, v6;
	v13 =	vadd.f32 v4, v13;
	v4 =	vmovc v5;
	s10 =	smov.u32 s4  }
0xa0: {  	v22 =	vld [tilespmem:s10+$0x10FF8];
	v10 =	vsub.f32 v15, v12;
	v12 =	vmul.f32 v16, v16;
	v15 =	vmul.f32 v17, v17  }
0xa1: {  	v1 =	vsub.f32 v8, v7;
	v23 =	vld [tilespmem:s10+$0x117F8];
	v24 =	vsub.f32 v11, v6  }
.Ltmp5:
0xa2: {  	v5 =	vld [tilespmem:s10+$0x11FF8];
	v3 =	vsub.f32 v14, v7;
	v14 =	vadd.f32 v15, v12;
	v7 =	vmul.f32 v10, v10;
	(pc) =	sbr.rel @p1 .LBB2_4-.Ltmp5, $4  }
0xa3: {  	v15 =	vsub.f32 v4, v0;
	v10 =	vld [tilespmem:s10+$0x127F8];
	v12 =	vsub.f32 v20, v0;
	v4 =	vmul.f32 v24, v2  }
0xa4: {  	v18 =	vmul.f32 v24, v1;
	v8 =	vld [tilespmem:s10+$0x12FF8];
	v16 =	vmul.f32 v3, v2;
	v20 =	vadd.f32 v14, v7;
	v0 =	vmovc v9  }
0xa5: {  	v19 =	vmul.f32 v3, v15;
	v9 =	vadd.f32 v21, v13;
	v11 =	vld [tilespmem:s10+$0x13FF8];
	v17 =	vmul.f32 v12, v1;
	v6 =	vmovc v22  }
0xa6: {  	s5 =	sadd.s32 $0x40, s5;
	v13 =	vmul.f32 v12, v15;
	v15 =	vmul.f32 v24, v15;
	v14 =	vld [tilespmem:s10+$0x147F8];
	[tilespmem:s6+$0x15FF8] =	vst v20;
	v7 =	vmov v23  }
0xa7: {  	v20 =	vld [tilespmem:s10+$0x137F8]  }
0xa8: {  	v16 =	vsub.f32 v16, v18  }
0xa9: {  	v5 =	vsub.f32 v5, v0;
	v49 =	vsub.f32 v17, v19  }
0xaa: {  	v2 =	vmul.f32 v12, v2;
	v10 =	vsub.f32 v10, v6;
	v8 =	vsub.f32 v8, v7  }
0xab: {  	v1 =	vmul.f32 v3, v1;
	v45 =	vsub.f32 v11, v6;
	v46 =	vsub.f32 v14, v7  }
0xac: {  	v47 =	vmul.f32 v16, v16;
	v12 =	vmul.f32 v49, v49;
	v48 =	vsub.f32 v20, v0  }
0xad: {  	v2 =	vsub.f32 v15, v2;
	v50 =	vmul.f32 v45, v8;
	v14 =	vmul.f32 v46, v10  }
0xae: {  	v52 =	vmul.f32 v46, v5;
	v51 =	vmul.f32 v48, v8  }
0xaf: {  	v4 =	vadd.f32 v4, v13;
	v2 =	vmul.f32 v2, v2;
	v53 =	vmul.f32 v45, v5  }
0xb0: {  	v55 =	vmul.f32 v48, v10;
	v14 =	vsub.f32 v14, v50;
	v54 =	vsub.f32 v51, v52  }
0xb1: {  	v56 =	vadd.f32 v12, v47;
	v6 =	vmul.f32 v45, v10;
	v0 =	vmul.f32 v48, v5  }
0xb2: {  	v57 =	vsub.f32 v53, v55;
	v58 =	vmul.f32 v14, v14;
	v59 =	vmul.f32 v54, v54  }
0xb3: {  	v1 =	vadd.f32 v1, v4;
	v62 =	vmul.f32 v46, v8;
	v0 =	vadd.f32 v6, v0  }
0xb4: {  	[tilespmem:s6+$0x157F8] =	vst v9;
	v2 =	vadd.f32 v56, v2;
	v61 =	vmul.f32 v57, v57;
	v60 =	vadd.f32 v59, v58  }
0xb5: {  	[tilespmem:s1+$0x157F8] =	vst v1;
	v0 =	vadd.f32 v62, v0  }
0xb6: {  	[tilespmem:s1+$0x15FF8] =	vst v2;
	v63 =	vadd.f32 v60, v61  }
0xb7: {  	s5 =	rddreg [dreg:$0x5];
	[tilespmem:s10+$0x157F8] =	vst v0  }
0xb8: {  	s1 =	sadd.s32 s5, s3;
	[tilespmem:s10+$0x15FF8] =	vst v63  }
0xb9: {  	[hbm4b:s1+s11] =	stream.linear.scatter [tilespmem:s23], [sflag:$0x1], $0x7D0, $0x38;
	[tilespmem:$0x167F8] =	vst v63  }
0xba: {  	s6 =	sadd.s32 s16, s3  }
0xbb: {  	[hbm4b:s6+s11] =	stream.linear.scatter [tilespmem:s0], [sflag:$0x1], $0x7D0, $0x38;
	[tilespmem:$0x167F8] =	vst v63  }
0xbc: {  	s10 =	sadd.s32 s17, s3  }
0xbd: {  	[hbm4b:s10+s11] =	stream.linear.scatter [tilespmem:s31], [sflag:$0x1], $0x7D0, $0x38;
	[tilespmem:$0x167F8] =	vst v63  }
0xbe: {  	_ =	swait.ge [sflag:s29], $0x7D0  }
0xbf: {  	[sflag:s29] =	ssyncset.done $0x0  }
0xc0: {  	[sflag:s29] =	ssyncadd.s32 $0xFFFFF830  }
0xc1: {  	_ =	swait.ge [sflag:s29], $0x7D0  }
.Ltmp6:
0xc2: {  	[sflag:s29] =	ssyncset.done $0x0;
	(pc) =	sbr.rel .LBB2_6-.Ltmp6, $4  }
0xc3: {  	[sflag:s29] =	ssyncadd.s32 $0xFFFFF830  }
0xc4: {  	_ =	swait.ge [sflag:s29], $0x7D0  }
0xc5: {  	[sflag:s29] =	ssyncset.done $0x0  }
0xc6: {  	[sflag:s29] =	ssyncadd.s32 $0xFFFFF830  }
.LBB2_8:
0xc7: {  	_ =	sfence.sel $0x180000  }
0xc8: {  	[bflag:$0x0] =	sbarrier.arrive $0xFFFF  }
0xc9: {  	_ =	strace $0x9000004A  }
0xca: {  	[bflag:$0x2] =	sbarrier.arrive $0xFFFF  }
0xcb: {  	s0 =	rddreg [dreg:$0xa]  }
0xcc: {  	s0 =	sadd.s32 @!p0 $0x100000, s0  }
0xcd: {  	[sflag:s0] =	ssyncadd.tile.s32 @!p0 $0x1;
	_ =	shalt  }
.Lfunc_end2:
_tile_overlayer_lowered:
.L_overlay_start_2:
0xce: {  	(tag) =	ssettag $0x2  }
0xcf: {  	s0 =	rddreg [dreg:$0x0];
	s2 =	stileid.u32  }
0xd0: {  	s1 =	rddreg [dreg:$0x1];
	p0 =	sne.s32 s2, $0x0  }
0xd1: {  	s3 =	rddreg [dreg:$0x2];
	[bflag:$0x3] =	sbarrier.arrive $0xFFFF;
	s2 =	simm.s32 @!p0 $0x1C02  }
0xd2: {  	[timem:s3], [sflag:s2] =	dma.local @!p0 [hbm:s0], s1  }
0xd3: {  	s0 =	simm.s32 @!p0 $0x2  }
0xd4: {  	_ =	swait.ge @!p0 [sflag:s0], s1  }
0xd5: {  	s1 =	ssub.s32 @!p0 $0x0, s1;
	[sflag:s0] =	ssyncset.done @!p0 $0x0  }
0xd6: {  	[sflag:s0] =	ssyncadd.s32 @!p0 s1  }
0xd7: {  	[bflag:$0x3] =	sbarrier.arrive $0xFFFF  }
0xd8: {  	_ =	shalt  }

</sc_bundles>
